<compile_context>
chip_gen: v7x
topology: tpu7x:2x2x1
jax: 0.10.2.dev20260603
libtpu: 0.0.44.dev20260713+nightly
codegen_flags: <defaults>
</compile_context>

<pallas_src>
import functools

import jax
import jax.numpy as jnp
from jax import lax
from jax.experimental import pallas as pl
from jax.experimental.pallas import tpu as pltpu
from jax.experimental.pallas import tpu_sc as plsc

N_NODES = 10000
N_EDGES = 320000
D = 128
L = 16

NC = 2
NS = 16
NW = NC * NS
CH = 128
K0 = 80
K1 = 80
K = max(K0, K1)
E_PAD = NS * (K0 + K1) * CH
ROWS = 10240
RPW = ROWS // NS
CROWS = ROWS // CH


def _sc_aggregate(x, src_p, dst_p, zrows):
  mesh = plsc.VectorSubcoreMesh(core_axis_name="c", subcore_axis_name="s")

  @functools.partial(
      pl.kernel,
      mesh=mesh,
      out_type=[
          jax.ShapeDtypeStruct((NC, ROWS, D), jnp.float32),
          jax.ShapeDtypeStruct((NC, NS, CROWS, CH), jnp.float32),
      ],
      scratch_types=[
          pltpu.VMEM((K, CH), jnp.int32),
          pltpu.VMEM((K, CH), jnp.int32),
          pltpu.VMEM((CH, D), jnp.float32),
          pltpu.VMEM((CROWS, CH), jnp.float32),
          pltpu.VMEM_SHARED((ROWS, D), jnp.float32),
          pltpu.SemaphoreType.DMA,
      ],
      compiler_params=pltpu.CompilerParams(needs_layout_passes=False),
  )
  def k(x_h, src_h, dst_h, zr_h, pout_h, cout_h,
        src_v, dst_v, rows_v, cnt_v, acc, sem):
    cid = lax.axis_index("c")
    sid = lax.axis_index("s")
    wid = cid * NS + sid
    base = sid * RPW

    pltpu.sync_copy(zr_h, rows_v)
    zh = [
        pltpu.async_copy(rows_v, acc.at[pl.ds(base + r * CH, CH)], sem)
        for r in range(RPW // CH)
    ]
    zero16 = jnp.zeros((L,), jnp.float32)

    def zstep(v, carry):
      row = lax.shift_right_logical(v, 3)
      col = lax.mul(lax.bitwise_and(v, 7), L)
      cnt_v[row, pl.ds(col, L)] = zero16
      return carry

    lax.fori_loop(0, CROWS * CH // L, zstep, 0)
    pltpu.sync_copy(src_h.at[wid], src_v)
    pltpu.sync_copy(dst_h.at[wid], dst_v)
    for h in zh:
      h.wait()
    plsc.subcore_barrier()

    one16 = jnp.full((L,), 1.0, jnp.float32)
    kq = K0

    def cstep(j, carry):
      for c in range(CH // L):
        dvec = dst_v[j, pl.ds(c * L, L)]
        i0 = lax.shift_right_logical(dvec, 7)
        i1 = lax.bitwise_and(dvec, 127)
        plsc.addupdate_scatter(cnt_v, [i0, i1], one16)
      return carry

    lax.fori_loop(0, kq, cstep, 0)

    def step(j, carry):
      pltpu.async_copy(x_h.at[src_v.at[j]], rows_v, sem).wait()
      pltpu.sync_copy(rows_v, acc.at[dst_v.at[j]], add=True)
      return carry

    lax.fori_loop(0, kq, step, 0)

    pltpu.sync_copy(cnt_v, cout_h.at[cid, sid])
    plsc.subcore_barrier()

    for r in range(RPW // CH):
      pltpu.sync_copy(acc.at[pl.ds(base + r * CH, CH)], rows_v)
      pltpu.sync_copy(rows_v, pout_h.at[cid, pl.ds(base + r * CH, CH)])

  return k(x, src_p, dst_p, zrows)


def _tc_finish(partials, counts, W, b2):
  def body(p_ref, c_ref, w_ref, b_ref, o_ref):
    s = p_ref[0] + p_ref[1]
    c = jnp.sum(c_ref[...], axis=(0, 1))
    c3 = jnp.broadcast_to(c[:, :, None], (CROWS, CH, D))
    c2 = jnp.reshape(c3, (ROWS, D))
    h = s / jnp.maximum(c2, 1.0)
    o_ref[...] = lax.dot_general(
        h, w_ref[...], (((1,), (1,)), ((), ())),
        preferred_element_type=jnp.float32) + b_ref[...]

  return pl.pallas_call(
      body,
      out_shape=jax.ShapeDtypeStruct((ROWS, D), jnp.float32),
  )(partials, counts, W, b2)


def kernel(x, edge_index, W, b):
  src = edge_index[0]
  dst = edge_index[1]
  pad = E_PAD - N_EDGES
  src_all = jnp.concatenate([src, jnp.zeros((pad,), jnp.int32)])
  dst_all = jnp.concatenate([dst, jnp.full((pad,), N_NODES, jnp.int32)])
  e0 = NS * K0 * CH
  src_p = jnp.concatenate([
      jnp.pad(src_all[:e0].reshape(NS, K0, CH), ((0, 0), (0, K - K0), (0, 0))),
      jnp.pad(src_all[e0:].reshape(NS, K1, CH), ((0, 0), (0, K - K1), (0, 0))),
  ])
  dst_p = jnp.concatenate([
      jnp.pad(dst_all[:e0].reshape(NS, K0, CH), ((0, 0), (0, K - K0), (0, 0)),
              constant_values=N_NODES),
      jnp.pad(dst_all[e0:].reshape(NS, K1, CH), ((0, 0), (0, K - K1), (0, 0)),
              constant_values=N_NODES),
  ])

  zrows = jnp.zeros((CH, D), jnp.float32)

  partials, counts = _sc_aggregate(x, src_p, dst_p, zrows)
  out = _tc_finish(partials, counts, W, b.reshape(1, D))
  return out[:N_NODES]

# --- scband reference (transcript-rebuilt; emitter-appended) ---
"""Pipeline reference for scband-gcnlayer-27608049778855 (READ-ONLY COPY).

The authoritative reference and input builder live on the scoring server;
editing this copy changes nothing except your own understanding.
"""

import jax, jax.numpy as jnp
import numpy as np

N_NODES = 10000
N_EDGES = 320000
D_IN = 128
D_OUT = 128


def setup_inputs(seed: int = 0) -> dict:
    key = jax.random.key(seed)
    k1, k2, k3, k4 = jax.random.split(key, 4)
    x = jax.random.normal(k1, (N_NODES, D_IN), dtype=jnp.float32)
    edge_index = jax.random.randint(k2, (2, N_EDGES), 0, N_NODES, dtype=jnp.int32)
    # nn.Linear(in_dim, out_dim): weight [out, in], bias [out]
    W = jax.random.normal(k3, (D_OUT, D_IN), dtype=jnp.float32) * 0.05
    b = jax.random.normal(k4, (D_OUT,), dtype=jnp.float32) * 0.05
    return {"x": x, "edge_index": edge_index, "W": W, "b": b}


def reference(x, edge_index, W, b):
    # DGL update_all(copy_u('h','m'), mean('m','h_neigh')):
    # h_neigh[v] = mean over incoming edges (u->v) of x[u]; 0 for isolated nodes.
    src = edge_index[0]
    dst = edge_index[1]
    msgs = jnp.take(x, src, axis=0)                                   # gather
    sums = jax.ops.segment_sum(msgs, dst, num_segments=N_NODES)       # scatter-add
    counts = jax.ops.segment_sum(jnp.ones((msgs.shape[0], 1), dtype=x.dtype), dst, num_segments=N_NODES)
    h = sums / jnp.maximum(counts, 1.0)
    return h @ W.T + b

if __name__ == "__main__":
    import jax
    _d = setup_inputs()
    print(jax.jit(kernel)(*tuple(_d.values())))

</pallas_src>

<mosaic_0001>
#map = affine_map<(d0, d1) -> (0, 0)>
#map1 = affine_map<(d0, d1) -> (0, 0, 0)>
#map2 = affine_map<(d0, d1) -> (0, 0, 0, 0)>
module attributes {stable_mosaic.version = 14 : i64} {
  func.func @k(%arg0: i32, %arg1: i32, %arg2: memref<10000x128xf32, #tpu.memory_space<hbm>>, %arg3: memref<32x80x128xi32, #tpu.memory_space<hbm>>, %arg4: memref<32x80x128xi32, #tpu.memory_space<hbm>>, %arg5: memref<128x128xf32, #tpu.memory_space<hbm>>, %arg6: memref<2x10240x128xf32, #tpu.memory_space<hbm>>, %arg7: memref<2x16x80x128xf32, #tpu.memory_space<hbm>>, %arg8: memref<80x128xi32, #tpu.memory_space<vmem>>, %arg9: memref<80x128xi32, #tpu.memory_space<vmem>>, %arg10: memref<128x128xf32, #tpu.memory_space<vmem>>, %arg11: memref<80x128xf32, #tpu.memory_space<vmem>>, %arg12: memref<10240x128xf32, #tpu.memory_space<vmem_shared>>, %arg13: memref<!tpu.dma_semaphore, #tpu.memory_space<semaphore_mem>>) attributes {dimension_semantics = [#tpu.dimension_semantics<core_parallel>, #tpu.dimension_semantics<subcore_parallel>], iteration_bounds = array<i64: 2, 16>, scalar_prefetch = 0 : i64, scratch_operands = 6 : i64, tpu.core_type = #tpu.core_type<sc_vector_subcore>, window_params = [{transform_indices = #map}, {transform_indices = #map1}, {transform_indices = #map1}, {transform_indices = #map}, {transform_indices = #map1}, {transform_indices = #map2}]} {
    %mul3A = arith.constant 16 : i32
    %mul3A_0 = arith.muli %arg0, %mul3A : i32
    %add3A = arith.addi %mul3A_0, %arg1 : i32
    %mul3A_1 = arith.constant 640 : i32
    %mul3A_2 = arith.muli %arg1, %mul3A_1 : i32
    "tpu.region"() ({
      %run_scoped3A = tpu.sem_alloc : memref<!tpu.dma_semaphore, #tpu.memory_space<semaphore_mem>>
      tpu.enqueue_dma source(%arg5 : memref<128x128xf32, #tpu.memory_space<hbm>>) target(%arg10 : memref<128x128xf32, #tpu.memory_space<vmem>>) target_semaphore(%run_scoped3A : memref<!tpu.dma_semaphore, #tpu.memory_space<semaphore_mem>>)
      tpu.wait_dma2 semaphore(%run_scoped3A : memref<!tpu.dma_semaphore, #tpu.memory_space<semaphore_mem>>) src(%arg5 : memref<128x128xf32, #tpu.memory_space<hbm>>) dst(%arg10 : memref<128x128xf32, #tpu.memory_space<vmem>>)
      tpu.yield
    }) : () -> ()
    %add3A_3 = arith.constant 0 : i32
    %add3A_4 = arith.addi %mul3A_2, %add3A_3 : i32
    %dma_start3A = arith.constant 0 : i32
    %dma_start3A_5 = tpu.memref_slice %arg12[%add3A_4, %dma_start3A] : memref<10240x128xf32, #tpu.memory_space<vmem_shared>> -> memref<128x128xf32, #tpu.memory_space<vmem_shared>>
    %dma_start3A_6 = arith.constant 0 : i32
    %dma_start3A_7 = tpu.memref_slice %arg12[%add3A_4, %dma_start3A_6] : memref<10240x128xf32, #tpu.memory_space<vmem_shared>> -> memref<128x128xf32, #tpu.memory_space<vmem_shared>>
    tpu.enqueue_dma source(%arg10 : memref<128x128xf32, #tpu.memory_space<vmem>>) target(%dma_start3A_7 : memref<128x128xf32, #tpu.memory_space<vmem_shared>>) target_semaphore(%arg13 : memref<!tpu.dma_semaphore, #tpu.memory_space<semaphore_mem>>)
    %add3A_8 = arith.constant 128 : i32
    %add3A_9 = arith.addi %mul3A_2, %add3A_8 : i32
    %dma_start3A_10 = arith.constant 0 : i32
    %dma_start3A_11 = tpu.memref_slice %arg12[%add3A_9, %dma_start3A_10] : memref<10240x128xf32, #tpu.memory_space<vmem_shared>> -> memref<128x128xf32, #tpu.memory_space<vmem_shared>>
    %dma_start3A_12 = arith.constant 0 : i32
    %dma_start3A_13 = tpu.memref_slice %arg12[%add3A_9, %dma_start3A_12] : memref<10240x128xf32, #tpu.memory_space<vmem_shared>> -> memref<128x128xf32, #tpu.memory_space<vmem_shared>>
    tpu.enqueue_dma source(%arg10 : memref<128x128xf32, #tpu.memory_space<vmem>>) target(%dma_start3A_13 : memref<128x128xf32, #tpu.memory_space<vmem_shared>>) target_semaphore(%arg13 : memref<!tpu.dma_semaphore, #tpu.memory_space<semaphore_mem>>)
    %add3A_14 = arith.constant 256 : i32
    %add3A_15 = arith.addi %mul3A_2, %add3A_14 : i32
    %dma_start3A_16 = arith.constant 0 : i32
    %dma_start3A_17 = tpu.memref_slice %arg12[%add3A_15, %dma_start3A_16] : memref<10240x128xf32, #tpu.memory_space<vmem_shared>> -> memref<128x128xf32, #tpu.memory_space<vmem_shared>>
    %dma_start3A_18 = arith.constant 0 : i32
    %dma_start3A_19 = tpu.memref_slice %arg12[%add3A_15, %dma_start3A_18] : memref<10240x128xf32, #tpu.memory_space<vmem_shared>> -> memref<128x128xf32, #tpu.memory_space<vmem_shared>>
    tpu.enqueue_dma source(%arg10 : memref<128x128xf32, #tpu.memory_space<vmem>>) target(%dma_start3A_19 : memref<128x128xf32, #tpu.memory_space<vmem_shared>>) target_semaphore(%arg13 : memref<!tpu.dma_semaphore, #tpu.memory_space<semaphore_mem>>)
    %add3A_20 = arith.constant 384 : i32
    %add3A_21 = arith.addi %mul3A_2, %add3A_20 : i32
    %dma_start3A_22 = arith.constant 0 : i32
    %dma_start3A_23 = tpu.memref_slice %arg12[%add3A_21, %dma_start3A_22] : memref<10240x128xf32, #tpu.memory_space<vmem_shared>> -> memref<128x128xf32, #tpu.memory_space<vmem_shared>>
    %dma_start3A_24 = arith.constant 0 : i32
    %dma_start3A_25 = tpu.memref_slice %arg12[%add3A_21, %dma_start3A_24] : memref<10240x128xf32, #tpu.memory_space<vmem_shared>> -> memref<128x128xf32, #tpu.memory_space<vmem_shared>>
    tpu.enqueue_dma source(%arg10 : memref<128x128xf32, #tpu.memory_space<vmem>>) target(%dma_start3A_25 : memref<128x128xf32, #tpu.memory_space<vmem_shared>>) target_semaphore(%arg13 : memref<!tpu.dma_semaphore, #tpu.memory_space<semaphore_mem>>)
    %add3A_26 = arith.constant 512 : i32
    %add3A_27 = arith.addi %mul3A_2, %add3A_26 : i32
    %dma_start3A_28 = arith.constant 0 : i32
    %dma_start3A_29 = tpu.memref_slice %arg12[%add3A_27, %dma_start3A_28] : memref<10240x128xf32, #tpu.memory_space<vmem_shared>> -> memref<128x128xf32, #tpu.memory_space<vmem_shared>>
    %dma_start3A_30 = arith.constant 0 : i32
    %dma_start3A_31 = tpu.memref_slice %arg12[%add3A_27, %dma_start3A_30] : memref<10240x128xf32, #tpu.memory_space<vmem_shared>> -> memref<128x128xf32, #tpu.memory_space<vmem_shared>>
    tpu.enqueue_dma source(%arg10 : memref<128x128xf32, #tpu.memory_space<vmem>>) target(%dma_start3A_31 : memref<128x128xf32, #tpu.memory_space<vmem_shared>>) target_semaphore(%arg13 : memref<!tpu.dma_semaphore, #tpu.memory_space<semaphore_mem>>)
    %broadcast_in_dim3A = arith.constant 0.000000e+00 : f32
    %broadcast_in_dim3A_32 = vector.broadcast %broadcast_in_dim3A : f32 to vector<16xf32>
    %scan3A = arith.constant 0 : i32
    %scan3A_33 = arith.constant 0 : i32
    %scan3A_34 = arith.constant 640 : i32
    %scan3A_35 = arith.addi %scan3A_33, %scan3A_34 : i32
    %scan3A_36 = arith.constant 1 : i32
    scf.for %scan3A_92 = %scan3A_33 to %scan3A_35 step %scan3A_36  : i32 {
      %shift_right_logical3A = arith.constant 3 : i32
      %shift_right_logical3A_93 = arith.shrui %scan3A_92, %shift_right_logical3A : i32
      %and3A = arith.constant 7 : i32
      %and3A_94 = arith.andi %scan3A_92, %and3A : i32
      %mul3A_95 = arith.constant 16 : i32
      %mul3A_96 = arith.muli %and3A_94, %mul3A_95 : i32
      %swap3A = arith.index_cast %shift_right_logical3A_93 : i32 to index
      %swap3A_97 = arith.index_cast %mul3A_96 : i32 to index
      %swap3A_98 = tpu.vector_load %arg11[%swap3A, %swap3A_97] {strides = array<i32>} : memref<80x128xf32, #tpu.memory_space<vmem>>, vector<16xf32>,
      tpu.vector_store %arg11[%swap3A, %swap3A_97], %broadcast_in_dim3A_32 {strides = array<i32>} : memref<80x128xf32, #tpu.memory_space<vmem>>, vector<16xf32>,
    }
    %scan3A_37 = arith.constant 640 : i32
    "tpu.region"() ({
      %run_scoped3A = tpu.sem_alloc : memref<!tpu.dma_semaphore, #tpu.memory_space<semaphore_mem>>
      %dma_start3A_92 = arith.constant 0 : i32
      %dma_start3A_93 = arith.constant 0 : i32
      %dma_start3A_94 = tpu.memref_slice %arg3[%add3A, %dma_start3A_92, %dma_start3A_93] : memref<32x80x128xi32, #tpu.memory_space<hbm>> -> memref<1x80x128xi32, #tpu.memory_space<hbm>>
      %dma_start3A_95 = tpu.memref_squeeze %dma_start3A_94 : memref<1x80x128xi32, #tpu.memory_space<hbm>> -> memref<80x128xi32, #tpu.memory_space<hbm>>
      %dma_start3A_96 = arith.constant 0 : i32
      %dma_start3A_97 = arith.constant 0 : i32
      %dma_start3A_98 = tpu.memref_slice %arg3[%add3A, %dma_start3A_96, %dma_start3A_97] : memref<32x80x128xi32, #tpu.memory_space<hbm>> -> memref<1x80x128xi32, #tpu.memory_space<hbm>>
      %dma_start3A_99 = tpu.memref_squeeze %dma_start3A_98 : memref<1x80x128xi32, #tpu.memory_space<hbm>> -> memref<80x128xi32, #tpu.memory_space<hbm>>
      tpu.enqueue_dma source(%dma_start3A_99 : memref<80x128xi32, #tpu.memory_space<hbm>>) target(%arg8 : memref<80x128xi32, #tpu.memory_space<vmem>>) target_semaphore(%run_scoped3A : memref<!tpu.dma_semaphore, #tpu.memory_space<semaphore_mem>>)
      %dma_wait3A_100 = arith.constant 0 : i32
      %dma_wait3A_101 = arith.constant 0 : i32
      %dma_wait3A_102 = tpu.memref_slice %arg3[%add3A, %dma_wait3A_100, %dma_wait3A_101] : memref<32x80x128xi32, #tpu.memory_space<hbm>> -> memref<1x80x128xi32, #tpu.memory_space<hbm>>
      %dma_wait3A_103 = tpu.memref_squeeze %dma_wait3A_102 : memref<1x80x128xi32, #tpu.memory_space<hbm>> -> memref<80x128xi32, #tpu.memory_space<hbm>>
      %dma_wait3A_104 = arith.constant 0 : i32
      %dma_wait3A_105 = arith.constant 0 : i32
      %dma_wait3A_106 = tpu.memref_slice %arg3[%add3A, %dma_wait3A_104, %dma_wait3A_105] : memref<32x80x128xi32, #tpu.memory_space<hbm>> -> memref<1x80x128xi32, #tpu.memory_space<hbm>>
      %dma_wait3A_107 = tpu.memref_squeeze %dma_wait3A_106 : memref<1x80x128xi32, #tpu.memory_space<hbm>> -> memref<80x128xi32, #tpu.memory_space<hbm>>
      tpu.wait_dma2 semaphore(%run_scoped3A : memref<!tpu.dma_semaphore, #tpu.memory_space<semaphore_mem>>) src(%dma_wait3A_107 : memref<80x128xi32, #tpu.memory_space<hbm>>) dst(%arg8 : memref<80x128xi32, #tpu.memory_space<vmem>>)
      tpu.yield
    }) : () -> ()
    "tpu.region"() ({
      %run_scoped3A = tpu.sem_alloc : memref<!tpu.dma_semaphore, #tpu.memory_space<semaphore_mem>>
      %dma_start3A_92 = arith.constant 0 : i32
      %dma_start3A_93 = arith.constant 0 : i32
      %dma_start3A_94 = tpu.memref_slice %arg4[%add3A, %dma_start3A_92, %dma_start3A_93] : memref<32x80x128xi32, #tpu.memory_space<hbm>> -> memref<1x80x128xi32, #tpu.memory_space<hbm>>
      %dma_start3A_95 = tpu.memref_squeeze %dma_start3A_94 : memref<1x80x128xi32, #tpu.memory_space<hbm>> -> memref<80x128xi32, #tpu.memory_space<hbm>>
      %dma_start3A_96 = arith.constant 0 : i32
      %dma_start3A_97 = arith.constant 0 : i32
      %dma_start3A_98 = tpu.memref_slice %arg4[%add3A, %dma_start3A_96, %dma_start3A_97] : memref<32x80x128xi32, #tpu.memory_space<hbm>> -> memref<1x80x128xi32, #tpu.memory_space<hbm>>
      %dma_start3A_99 = tpu.memref_squeeze %dma_start3A_98 : memref<1x80x128xi32, #tpu.memory_space<hbm>> -> memref<80x128xi32, #tpu.memory_space<hbm>>
      tpu.enqueue_dma source(%dma_start3A_99 : memref<80x128xi32, #tpu.memory_space<hbm>>) target(%arg9 : memref<80x128xi32, #tpu.memory_space<vmem>>) target_semaphore(%run_scoped3A : memref<!tpu.dma_semaphore, #tpu.memory_space<semaphore_mem>>)
      %dma_wait3A_100 = arith.constant 0 : i32
      %dma_wait3A_101 = arith.constant 0 : i32
      %dma_wait3A_102 = tpu.memref_slice %arg4[%add3A, %dma_wait3A_100, %dma_wait3A_101] : memref<32x80x128xi32, #tpu.memory_space<hbm>> -> memref<1x80x128xi32, #tpu.memory_space<hbm>>
      %dma_wait3A_103 = tpu.memref_squeeze %dma_wait3A_102 : memref<1x80x128xi32, #tpu.memory_space<hbm>> -> memref<80x128xi32, #tpu.memory_space<hbm>>
      %dma_wait3A_104 = arith.constant 0 : i32
      %dma_wait3A_105 = arith.constant 0 : i32
      %dma_wait3A_106 = tpu.memref_slice %arg4[%add3A, %dma_wait3A_104, %dma_wait3A_105] : memref<32x80x128xi32, #tpu.memory_space<hbm>> -> memref<1x80x128xi32, #tpu.memory_space<hbm>>
      %dma_wait3A_107 = tpu.memref_squeeze %dma_wait3A_106 : memref<1x80x128xi32, #tpu.memory_space<hbm>> -> memref<80x128xi32, #tpu.memory_space<hbm>>
      tpu.wait_dma2 semaphore(%run_scoped3A : memref<!tpu.dma_semaphore, #tpu.memory_space<semaphore_mem>>) src(%dma_wait3A_107 : memref<80x128xi32, #tpu.memory_space<hbm>>) dst(%arg9 : memref<80x128xi32, #tpu.memory_space<vmem>>)
      tpu.yield
    }) : () -> ()
    %dma_wait3A = arith.constant 0 : i32
    %dma_wait3A_38 = tpu.memref_slice %arg12[%add3A_4, %dma_wait3A] : memref<10240x128xf32, #tpu.memory_space<vmem_shared>> -> memref<128x128xf32, #tpu.memory_space<vmem_shared>>
    %dma_wait3A_39 = arith.constant 0 : i32
    %dma_wait3A_40 = tpu.memref_slice %arg12[%add3A_4, %dma_wait3A_39] : memref<10240x128xf32, #tpu.memory_space<vmem_shared>> -> memref<128x128xf32, #tpu.memory_space<vmem_shared>>
    tpu.wait_dma2 semaphore(%arg13 : memref<!tpu.dma_semaphore, #tpu.memory_space<semaphore_mem>>) src(%arg10 : memref<128x128xf32, #tpu.memory_space<vmem>>) dst(%dma_wait3A_40 : memref<128x128xf32, #tpu.memory_space<vmem_shared>>)
    %dma_wait3A_41 = arith.constant 0 : i32
    %dma_wait3A_42 = tpu.memref_slice %arg12[%add3A_9, %dma_wait3A_41] : memref<10240x128xf32, #tpu.memory_space<vmem_shared>> -> memref<128x128xf32, #tpu.memory_space<vmem_shared>>
    %dma_wait3A_43 = arith.constant 0 : i32
    %dma_wait3A_44 = tpu.memref_slice %arg12[%add3A_9, %dma_wait3A_43] : memref<10240x128xf32, #tpu.memory_space<vmem_shared>> -> memref<128x128xf32, #tpu.memory_space<vmem_shared>>
    tpu.wait_dma2 semaphore(%arg13 : memref<!tpu.dma_semaphore, #tpu.memory_space<semaphore_mem>>) src(%arg10 : memref<128x128xf32, #tpu.memory_space<vmem>>) dst(%dma_wait3A_44 : memref<128x128xf32, #tpu.memory_space<vmem_shared>>)
    %dma_wait3A_45 = arith.constant 0 : i32
    %dma_wait3A_46 = tpu.memref_slice %arg12[%add3A_15, %dma_wait3A_45] : memref<10240x128xf32, #tpu.memory_space<vmem_shared>> -> memref<128x128xf32, #tpu.memory_space<vmem_shared>>
    %dma_wait3A_47 = arith.constant 0 : i32
    %dma_wait3A_48 = tpu.memref_slice %arg12[%add3A_15, %dma_wait3A_47] : memref<10240x128xf32, #tpu.memory_space<vmem_shared>> -> memref<128x128xf32, #tpu.memory_space<vmem_shared>>
    tpu.wait_dma2 semaphore(%arg13 : memref<!tpu.dma_semaphore, #tpu.memory_space<semaphore_mem>>) src(%arg10 : memref<128x128xf32, #tpu.memory_space<vmem>>) dst(%dma_wait3A_48 : memref<128x128xf32, #tpu.memory_space<vmem_shared>>)
    %dma_wait3A_49 = arith.constant 0 : i32
    %dma_wait3A_50 = tpu.memref_slice %arg12[%add3A_21, %dma_wait3A_49] : memref<10240x128xf32, #tpu.memory_space<vmem_shared>> -> memref<128x128xf32, #tpu.memory_space<vmem_shared>>
    %dma_wait3A_51 = arith.constant 0 : i32
    %dma_wait3A_52 = tpu.memref_slice %arg12[%add3A_21, %dma_wait3A_51] : memref<10240x128xf32, #tpu.memory_space<vmem_shared>> -> memref<128x128xf32, #tpu.memory_space<vmem_shared>>
    tpu.wait_dma2 semaphore(%arg13 : memref<!tpu.dma_semaphore, #tpu.memory_space<semaphore_mem>>) src(%arg10 : memref<128x128xf32, #tpu.memory_space<vmem>>) dst(%dma_wait3A_52 : memref<128x128xf32, #tpu.memory_space<vmem_shared>>)
    %dma_wait3A_53 = arith.constant 0 : i32
    %dma_wait3A_54 = tpu.memref_slice %arg12[%add3A_27, %dma_wait3A_53] : memref<10240x128xf32, #tpu.memory_space<vmem_shared>> -> memref<128x128xf32, #tpu.memory_space<vmem_shared>>
    %dma_wait3A_55 = arith.constant 0 : i32
    %dma_wait3A_56 = tpu.memref_slice %arg12[%add3A_27, %dma_wait3A_55] : memref<10240x128xf32, #tpu.memory_space<vmem_shared>> -> memref<128x128xf32, #tpu.memory_space<vmem_shared>>
    tpu.wait_dma2 semaphore(%arg13 : memref<!tpu.dma_semaphore, #tpu.memory_space<semaphore_mem>>) src(%arg10 : memref<128x128xf32, #tpu.memory_space<vmem>>) dst(%dma_wait3A_56 : memref<128x128xf32, #tpu.memory_space<vmem_shared>>)
    %barrier3A = arith.constant 0 : index
    tpu.barrier barrier_id(%barrier3A)
    %broadcast_in_dim3A_57 = arith.constant 1.000000e+00 : f32
    %broadcast_in_dim3A_58 = vector.broadcast %broadcast_in_dim3A_57 : f32 to vector<16xf32>
    %scan3A_59 = arith.constant 0 : i32
    %scan3A_60 = arith.constant 0 : i32
    %scan3A_61 = arith.constant 80 : i32
    %scan3A_62 = arith.addi %scan3A_60, %scan3A_61 : i32
    %scan3A_63 = arith.constant 1 : i32
    scf.for %scan3A_92 = %scan3A_60 to %scan3A_62 step %scan3A_63  : i32 {
      %get3A = arith.index_cast %scan3A_92 : i32 to index
      %get3A_93 = arith.constant 0 : index
      %get3A_94 = tpu.vector_load %arg9[%get3A, %get3A_93] {strides = array<i32>} : memref<80x128xi32, #tpu.memory_space<vmem>>, vector<16xi32>,
      %shift_right_logical3A = arith.constant 7 : i32
      %shift_right_logical3A_95 = vector.broadcast %shift_right_logical3A : i32 to vector<16xi32>
      %shift_right_logical3A_96 = arith.shrui %get3A_94, %shift_right_logical3A_95 : vector<16xi32>
      %and3A = arith.constant 127 : i32
      %and3A_97 = vector.broadcast %and3A : i32 to vector<16xi32>
      %and3A_98 = arith.andi %get3A_94, %and3A_97 : vector<16xi32>
      tpu.vector_store_idx %arg11[%shift_right_logical3A_96, %and3A_98], %broadcast_in_dim3A_58 {add = true} : memref<80x128xf32, #tpu.memory_space<vmem>>[vector<16xi32>, vector<16xi32>], vector<16xf32>,
      %get3A_99 = arith.index_cast %scan3A_92 : i32 to index
      %get3A_100 = arith.constant 16 : index
      %get3A_101 = tpu.vector_load %arg9[%get3A_99, %get3A_100] {strides = array<i32>} : memref<80x128xi32, #tpu.memory_space<vmem>>, vector<16xi32>,
      %shift_right_logical3A_102 = arith.constant 7 : i32
      %shift_right_logical3A_103 = vector.broadcast %shift_right_logical3A_102 : i32 to vector<16xi32>
      %shift_right_logical3A_104 = arith.shrui %get3A_101, %shift_right_logical3A_103 : vector<16xi32>
      %and3A_105 = arith.constant 127 : i32
      %and3A_106 = vector.broadcast %and3A_105 : i32 to vector<16xi32>
      %and3A_107 = arith.andi %get3A_101, %and3A_106 : vector<16xi32>
      tpu.vector_store_idx %arg11[%shift_right_logical3A_104, %and3A_107], %broadcast_in_dim3A_58 {add = true} : memref<80x128xf32, #tpu.memory_space<vmem>>[vector<16xi32>, vector<16xi32>], vector<16xf32>,
      %get3A_108 = arith.index_cast %scan3A_92 : i32 to index
      %get3A_109 = arith.constant 32 : index
      %get3A_110 = tpu.vector_load %arg9[%get3A_108, %get3A_109] {strides = array<i32>} : memref<80x128xi32, #tpu.memory_space<vmem>>, vector<16xi32>,
      %shift_right_logical3A_111 = arith.constant 7 : i32
      %shift_right_logical3A_112 = vector.broadcast %shift_right_logical3A_111 : i32 to vector<16xi32>
      %shift_right_logical3A_113 = arith.shrui %get3A_110, %shift_right_logical3A_112 : vector<16xi32>
      %and3A_114 = arith.constant 127 : i32
      %and3A_115 = vector.broadcast %and3A_114 : i32 to vector<16xi32>
      %and3A_116 = arith.andi %get3A_110, %and3A_115 : vector<16xi32>
      tpu.vector_store_idx %arg11[%shift_right_logical3A_113, %and3A_116], %broadcast_in_dim3A_58 {add = true} : memref<80x128xf32, #tpu.memory_space<vmem>>[vector<16xi32>, vector<16xi32>], vector<16xf32>,
      %get3A_117 = arith.index_cast %scan3A_92 : i32 to index
      %get3A_118 = arith.constant 48 : index
      %get3A_119 = tpu.vector_load %arg9[%get3A_117, %get3A_118] {strides = array<i32>} : memref<80x128xi32, #tpu.memory_space<vmem>>, vector<16xi32>,
      %shift_right_logical3A_120 = arith.constant 7 : i32
      %shift_right_logical3A_121 = vector.broadcast %shift_right_logical3A_120 : i32 to vector<16xi32>
      %shift_right_logical3A_122 = arith.shrui %get3A_119, %shift_right_logical3A_121 : vector<16xi32>
      %and3A_123 = arith.constant 127 : i32
      %and3A_124 = vector.broadcast %and3A_123 : i32 to vector<16xi32>
      %and3A_125 = arith.andi %get3A_119, %and3A_124 : vector<16xi32>
      tpu.vector_store_idx %arg11[%shift_right_logical3A_122, %and3A_125], %broadcast_in_dim3A_58 {add = true} : memref<80x128xf32, #tpu.memory_space<vmem>>[vector<16xi32>, vector<16xi32>], vector<16xf32>,
      %get3A_126 = arith.index_cast %scan3A_92 : i32 to index
      %get3A_127 = arith.constant 64 : index
      %get3A_128 = tpu.vector_load %arg9[%get3A_126, %get3A_127] {strides = array<i32>} : memref<80x128xi32, #tpu.memory_space<vmem>>, vector<16xi32>,
      %shift_right_logical3A_129 = arith.constant 7 : i32
      %shift_right_logical3A_130 = vector.broadcast %shift_right_logical3A_129 : i32 to vector<16xi32>
      %shift_right_logical3A_131 = arith.shrui %get3A_128, %shift_right_logical3A_130 : vector<16xi32>
      %and3A_132 = arith.constant 127 : i32
      %and3A_133 = vector.broadcast %and3A_132 : i32 to vector<16xi32>
      %and3A_134 = arith.andi %get3A_128, %and3A_133 : vector<16xi32>
      tpu.vector_store_idx %arg11[%shift_right_logical3A_131, %and3A_134], %broadcast_in_dim3A_58 {add = true} : memref<80x128xf32, #tpu.memory_space<vmem>>[vector<16xi32>, vector<16xi32>], vector<16xf32>,
      %get3A_135 = arith.index_cast %scan3A_92 : i32 to index
      %get3A_136 = arith.constant 80 : index
      %get3A_137 = tpu.vector_load %arg9[%get3A_135, %get3A_136] {strides = array<i32>} : memref<80x128xi32, #tpu.memory_space<vmem>>, vector<16xi32>,
      %shift_right_logical3A_138 = arith.constant 7 : i32
      %shift_right_logical3A_139 = vector.broadcast %shift_right_logical3A_138 : i32 to vector<16xi32>
      %shift_right_logical3A_140 = arith.shrui %get3A_137, %shift_right_logical3A_139 : vector<16xi32>
      %and3A_141 = arith.constant 127 : i32
      %and3A_142 = vector.broadcast %and3A_141 : i32 to vector<16xi32>
      %and3A_143 = arith.andi %get3A_137, %and3A_142 : vector<16xi32>
      tpu.vector_store_idx %arg11[%shift_right_logical3A_140, %and3A_143], %broadcast_in_dim3A_58 {add = true} : memref<80x128xf32, #tpu.memory_space<vmem>>[vector<16xi32>, vector<16xi32>], vector<16xf32>,
      %get3A_144 = arith.index_cast %scan3A_92 : i32 to index
      %get3A_145 = arith.constant 96 : index
      %get3A_146 = tpu.vector_load %arg9[%get3A_144, %get3A_145] {strides = array<i32>} : memref<80x128xi32, #tpu.memory_space<vmem>>, vector<16xi32>,
      %shift_right_logical3A_147 = arith.constant 7 : i32
      %shift_right_logical3A_148 = vector.broadcast %shift_right_logical3A_147 : i32 to vector<16xi32>
      %shift_right_logical3A_149 = arith.shrui %get3A_146, %shift_right_logical3A_148 : vector<16xi32>
      %and3A_150 = arith.constant 127 : i32
      %and3A_151 = vector.broadcast %and3A_150 : i32 to vector<16xi32>
      %and3A_152 = arith.andi %get3A_146, %and3A_151 : vector<16xi32>
      tpu.vector_store_idx %arg11[%shift_right_logical3A_149, %and3A_152], %broadcast_in_dim3A_58 {add = true} : memref<80x128xf32, #tpu.memory_space<vmem>>[vector<16xi32>, vector<16xi32>], vector<16xf32>,
      %get3A_153 = arith.index_cast %scan3A_92 : i32 to index
      %get3A_154 = arith.constant 112 : index
      %get3A_155 = tpu.vector_load %arg9[%get3A_153, %get3A_154] {strides = array<i32>} : memref<80x128xi32, #tpu.memory_space<vmem>>, vector<16xi32>,
      %shift_right_logical3A_156 = arith.constant 7 : i32
      %shift_right_logical3A_157 = vector.broadcast %shift_right_logical3A_156 : i32 to vector<16xi32>
      %shift_right_logical3A_158 = arith.shrui %get3A_155, %shift_right_logical3A_157 : vector<16xi32>
      %and3A_159 = arith.constant 127 : i32
      %and3A_160 = vector.broadcast %and3A_159 : i32 to vector<16xi32>
      %and3A_161 = arith.andi %get3A_155, %and3A_160 : vector<16xi32>
      tpu.vector_store_idx %arg11[%shift_right_logical3A_158, %and3A_161], %broadcast_in_dim3A_58 {add = true} : memref<80x128xf32, #tpu.memory_space<vmem>>[vector<16xi32>, vector<16xi32>], vector<16xf32>,
    }
    %scan3A_64 = arith.constant 80 : i32
    %scan3A_65 = arith.constant 0 : i32
    %scan3A_66 = arith.constant 0 : i32
    %scan3A_67 = arith.constant 80 : i32
    %scan3A_68 = arith.addi %scan3A_66, %scan3A_67 : i32
    %scan3A_69 = arith.constant 1 : i32
    scf.for %scan3A_92 = %scan3A_66 to %scan3A_68 step %scan3A_69  : i32 {
      %dma_start3A_93 = arith.constant 0 : i32
      %dma_start3A_94 = tpu.memref_slice %arg8[%scan3A_92, %dma_start3A_93] : memref<80x128xi32, #tpu.memory_space<vmem>> -> memref<1x128xi32, #tpu.memory_space<vmem>>
      %dma_start3A_95 = tpu.memref_squeeze %dma_start3A_94 : memref<1x128xi32, #tpu.memory_space<vmem>> -> memref<128xi32, #tpu.memory_space<vmem>>
      %dma_start3A_96 = arith.constant 0 : i32
      %dma_start3A_97 = arith.constant 0 : i32
      %dma_start3A_98 = tpu.memref_slice %arg2[%dma_start3A_96, %dma_start3A_97] : memref<10000x128xf32, #tpu.memory_space<hbm>> -> memref<10000x128xf32, #tpu.memory_space<hbm>>
      tpu.enqueue_indirect_dma source(%dma_start3A_98 : memref<10000x128xf32, #tpu.memory_space<hbm>>) target(%arg10 : memref<128x128xf32, #tpu.memory_space<vmem>>) offsets(%dma_start3A_95 : memref<128xi32, #tpu.memory_space<vmem>>) semaphore(%arg13 : memref<!tpu.dma_semaphore, #tpu.memory_space<semaphore_mem>>)
      %dma_wait3A_99 = arith.constant 0 : i32
      %dma_wait3A_100 = tpu.memref_slice %arg8[%scan3A_92, %dma_wait3A_99] : memref<80x128xi32, #tpu.memory_space<vmem>> -> memref<1x128xi32, #tpu.memory_space<vmem>>
      %dma_wait3A_101 = tpu.memref_squeeze %dma_wait3A_100 : memref<1x128xi32, #tpu.memory_space<vmem>> -> memref<128xi32, #tpu.memory_space<vmem>>
      %dma_wait3A_102 = arith.constant 0 : i32
      %dma_wait3A_103 = arith.constant 0 : i32
      %dma_wait3A_104 = tpu.memref_slice %arg2[%dma_wait3A_102, %dma_wait3A_103] : memref<10000x128xf32, #tpu.memory_space<hbm>> -> memref<10000x128xf32, #tpu.memory_space<hbm>>
      tpu.wait_indirect_dma semaphore(%arg13 : memref<!tpu.dma_semaphore, #tpu.memory_space<semaphore_mem>>) src(%dma_wait3A_104 : memref<10000x128xf32, #tpu.memory_space<hbm>>) dst(%arg10 : memref<128x128xf32, #tpu.memory_space<vmem>>)
      "tpu.region"() ({
        %run_scoped3A = tpu.sem_alloc : memref<!tpu.dma_semaphore, #tpu.memory_space<semaphore_mem>>
        %dma_start3A_105 = arith.constant 0 : i32
        %dma_start3A_106 = tpu.memref_slice %arg9[%scan3A_92, %dma_start3A_105] : memref<80x128xi32, #tpu.memory_space<vmem>> -> memref<1x128xi32, #tpu.memory_space<vmem>>
        %dma_start3A_107 = tpu.memref_squeeze %dma_start3A_106 : memref<1x128xi32, #tpu.memory_space<vmem>> -> memref<128xi32, #tpu.memory_space<vmem>>
        %dma_start3A_108 = arith.constant 0 : i32
        %dma_start3A_109 = arith.constant 0 : i32
        %dma_start3A_110 = tpu.memref_slice %arg12[%dma_start3A_108, %dma_start3A_109] : memref<10240x128xf32, #tpu.memory_space<vmem_shared>> -> memref<10240x128xf32, #tpu.memory_space<vmem_shared>>
        tpu.enqueue_indirect_dma source(%arg10 : memref<128x128xf32, #tpu.memory_space<vmem>>) target(%dma_start3A_110 : memref<10240x128xf32, #tpu.memory_space<vmem_shared>>) offsets(%dma_start3A_107 : memref<128xi32, #tpu.memory_space<vmem>>) semaphore(%run_scoped3A : memref<!tpu.dma_semaphore, #tpu.memory_space<semaphore_mem>>) {add = true}
        %dma_wait3A_111 = arith.constant 0 : i32
        %dma_wait3A_112 = tpu.memref_slice %arg9[%scan3A_92, %dma_wait3A_111] : memref<80x128xi32, #tpu.memory_space<vmem>> -> memref<1x128xi32, #tpu.memory_space<vmem>>
        %dma_wait3A_113 = tpu.memref_squeeze %dma_wait3A_112 : memref<1x128xi32, #tpu.memory_space<vmem>> -> memref<128xi32, #tpu.memory_space<vmem>>
        %dma_wait3A_114 = arith.constant 0 : i32
        %dma_wait3A_115 = arith.constant 0 : i32
        %dma_wait3A_116 = tpu.memref_slice %arg12[%dma_wait3A_114, %dma_wait3A_115] : memref<10240x128xf32, #tpu.memory_space<vmem_shared>> -> memref<10240x128xf32, #tpu.memory_space<vmem_shared>>
        tpu.wait_indirect_dma semaphore(%run_scoped3A : memref<!tpu.dma_semaphore, #tpu.memory_space<semaphore_mem>>) src(%arg10 : memref<128x128xf32, #tpu.memory_space<vmem>>) dst(%dma_wait3A_116 : memref<10240x128xf32, #tpu.memory_space<vmem_shared>>)
        tpu.yield
      }) : () -> ()
    }
    %scan3A_70 = arith.constant 80 : i32
    "tpu.region"() ({
      %run_scoped3A = tpu.sem_alloc : memref<!tpu.dma_semaphore, #tpu.memory_space<semaphore_mem>>
      %dma_start3A_92 = arith.constant 0 : i32
      %dma_start3A_93 = arith.constant 0 : i32
      %dma_start3A_94 = tpu.memref_slice %arg7[%arg0, %arg1, %dma_start3A_92, %dma_start3A_93] : memref<2x16x80x128xf32, #tpu.memory_space<hbm>> -> memref<1x1x80x128xf32, #tpu.memory_space<hbm>>
      %dma_start3A_95 = tpu.memref_squeeze %dma_start3A_94 : memref<1x1x80x128xf32, #tpu.memory_space<hbm>> -> memref<80x128xf32, #tpu.memory_space<hbm>>
      %dma_start3A_96 = arith.constant 0 : i32
      %dma_start3A_97 = arith.constant 0 : i32
      %dma_start3A_98 = tpu.memref_slice %arg7[%arg0, %arg1, %dma_start3A_96, %dma_start3A_97] : memref<2x16x80x128xf32, #tpu.memory_space<hbm>> -> memref<1x1x80x128xf32, #tpu.memory_space<hbm>>
      %dma_start3A_99 = tpu.memref_squeeze %dma_start3A_98 : memref<1x1x80x128xf32, #tpu.memory_space<hbm>> -> memref<80x128xf32, #tpu.memory_space<hbm>>
      tpu.enqueue_dma source(%arg11 : memref<80x128xf32, #tpu.memory_space<vmem>>) target(%dma_start3A_99 : memref<80x128xf32, #tpu.memory_space<hbm>>) target_semaphore(%run_scoped3A : memref<!tpu.dma_semaphore, #tpu.memory_space<semaphore_mem>>)
      %dma_wait3A_100 = arith.constant 0 : i32
      %dma_wait3A_101 = arith.constant 0 : i32
      %dma_wait3A_102 = tpu.memref_slice %arg7[%arg0, %arg1, %dma_wait3A_100, %dma_wait3A_101] : memref<2x16x80x128xf32, #tpu.memory_space<hbm>> -> memref<1x1x80x128xf32, #tpu.memory_space<hbm>>
      %dma_wait3A_103 = tpu.memref_squeeze %dma_wait3A_102 : memref<1x1x80x128xf32, #tpu.memory_space<hbm>> -> memref<80x128xf32, #tpu.memory_space<hbm>>
      %dma_wait3A_104 = arith.constant 0 : i32
      %dma_wait3A_105 = arith.constant 0 : i32
      %dma_wait3A_106 = tpu.memref_slice %arg7[%arg0, %arg1, %dma_wait3A_104, %dma_wait3A_105] : memref<2x16x80x128xf32, #tpu.memory_space<hbm>> -> memref<1x1x80x128xf32, #tpu.memory_space<hbm>>
      %dma_wait3A_107 = tpu.memref_squeeze %dma_wait3A_106 : memref<1x1x80x128xf32, #tpu.memory_space<hbm>> -> memref<80x128xf32, #tpu.memory_space<hbm>>
      tpu.wait_dma2 semaphore(%run_scoped3A : memref<!tpu.dma_semaphore, #tpu.memory_space<semaphore_mem>>) src(%arg11 : memref<80x128xf32, #tpu.memory_space<vmem>>) dst(%dma_wait3A_107 : memref<80x128xf32, #tpu.memory_space<hbm>>)
      tpu.yield
    }) : () -> ()
    %barrier3A_71 = arith.constant 0 : index
    tpu.barrier barrier_id(%barrier3A_71)
    %add3A_72 = arith.constant 0 : i32
    %add3A_73 = arith.addi %mul3A_2, %add3A_72 : i32
    "tpu.region"() ({
      %run_scoped3A = tpu.sem_alloc : memref<!tpu.dma_semaphore, #tpu.memory_space<semaphore_mem>>
      %dma_start3A_92 = arith.constant 0 : i32
      %dma_start3A_93 = tpu.memref_slice %arg12[%add3A_73, %dma_start3A_92] : memref<10240x128xf32, #tpu.memory_space<vmem_shared>> -> memref<128x128xf32, #tpu.memory_space<vmem_shared>>
      %dma_start3A_94 = arith.constant 0 : i32
      %dma_start3A_95 = tpu.memref_slice %arg12[%add3A_73, %dma_start3A_94] : memref<10240x128xf32, #tpu.memory_space<vmem_shared>> -> memref<128x128xf32, #tpu.memory_space<vmem_shared>>
      tpu.enqueue_dma source(%dma_start3A_95 : memref<128x128xf32, #tpu.memory_space<vmem_shared>>) target(%arg10 : memref<128x128xf32, #tpu.memory_space<vmem>>) target_semaphore(%run_scoped3A : memref<!tpu.dma_semaphore, #tpu.memory_space<semaphore_mem>>)
      %dma_wait3A_96 = arith.constant 0 : i32
      %dma_wait3A_97 = tpu.memref_slice %arg12[%add3A_73, %dma_wait3A_96] : memref<10240x128xf32, #tpu.memory_space<vmem_shared>> -> memref<128x128xf32, #tpu.memory_space<vmem_shared>>
      %dma_wait3A_98 = arith.constant 0 : i32
      %dma_wait3A_99 = tpu.memref_slice %arg12[%add3A_73, %dma_wait3A_98] : memref<10240x128xf32, #tpu.memory_space<vmem_shared>> -> memref<128x128xf32, #tpu.memory_space<vmem_shared>>
      tpu.wait_dma2 semaphore(%run_scoped3A : memref<!tpu.dma_semaphore, #tpu.memory_space<semaphore_mem>>) src(%dma_wait3A_99 : memref<128x128xf32, #tpu.memory_space<vmem_shared>>) dst(%arg10 : memref<128x128xf32, #tpu.memory_space<vmem>>)
      tpu.yield
    }) : () -> ()
    %add3A_74 = arith.constant 0 : i32
    %add3A_75 = arith.addi %mul3A_2, %add3A_74 : i32
    "tpu.region"() ({
      %run_scoped3A = tpu.sem_alloc : memref<!tpu.dma_semaphore, #tpu.memory_space<semaphore_mem>>
      %dma_start3A_92 = arith.constant 0 : i32
      %dma_start3A_93 = tpu.memref_slice %arg6[%arg0, %add3A_75, %dma_start3A_92] : memref<2x10240x128xf32, #tpu.memory_space<hbm>> -> memref<1x128x128xf32, #tpu.memory_space<hbm>>
      %dma_start3A_94 = tpu.memref_squeeze %dma_start3A_93 : memref<1x128x128xf32, #tpu.memory_space<hbm>> -> memref<128x128xf32, #tpu.memory_space<hbm>>
      %dma_start3A_95 = arith.constant 0 : i32
      %dma_start3A_96 = tpu.memref_slice %arg6[%arg0, %add3A_75, %dma_start3A_95] : memref<2x10240x128xf32, #tpu.memory_space<hbm>> -> memref<1x128x128xf32, #tpu.memory_space<hbm>>
      %dma_start3A_97 = tpu.memref_squeeze %dma_start3A_96 : memref<1x128x128xf32, #tpu.memory_space<hbm>> -> memref<128x128xf32, #tpu.memory_space<hbm>>
      tpu.enqueue_dma source(%arg10 : memref<128x128xf32, #tpu.memory_space<vmem>>) target(%dma_start3A_97 : memref<128x128xf32, #tpu.memory_space<hbm>>) target_semaphore(%run_scoped3A : memref<!tpu.dma_semaphore, #tpu.memory_space<semaphore_mem>>)
      %dma_wait3A_98 = arith.constant 0 : i32
      %dma_wait3A_99 = tpu.memref_slice %arg6[%arg0, %add3A_75, %dma_wait3A_98] : memref<2x10240x128xf32, #tpu.memory_space<hbm>> -> memref<1x128x128xf32, #tpu.memory_space<hbm>>
      %dma_wait3A_100 = tpu.memref_squeeze %dma_wait3A_99 : memref<1x128x128xf32, #tpu.memory_space<hbm>> -> memref<128x128xf32, #tpu.memory_space<hbm>>
      %dma_wait3A_101 = arith.constant 0 : i32
      %dma_wait3A_102 = tpu.memref_slice %arg6[%arg0, %add3A_75, %dma_wait3A_101] : memref<2x10240x128xf32, #tpu.memory_space<hbm>> -> memref<1x128x128xf32, #tpu.memory_space<hbm>>
      %dma_wait3A_103 = tpu.memref_squeeze %dma_wait3A_102 : memref<1x128x128xf32, #tpu.memory_space<hbm>> -> memref<128x128xf32, #tpu.memory_space<hbm>>
      tpu.wait_dma2 semaphore(%run_scoped3A : memref<!tpu.dma_semaphore, #tpu.memory_space<semaphore_mem>>) src(%arg10 : memref<128x128xf32, #tpu.memory_space<vmem>>) dst(%dma_wait3A_103 : memref<128x128xf32, #tpu.memory_space<hbm>>)
      tpu.yield
    }) : () -> ()
    %add3A_76 = arith.constant 128 : i32
    %add3A_77 = arith.addi %mul3A_2, %add3A_76 : i32
    "tpu.region"() ({
      %run_scoped3A = tpu.sem_alloc : memref<!tpu.dma_semaphore, #tpu.memory_space<semaphore_mem>>
      %dma_start3A_92 = arith.constant 0 : i32
      %dma_start3A_93 = tpu.memref_slice %arg12[%add3A_77, %dma_start3A_92] : memref<10240x128xf32, #tpu.memory_space<vmem_shared>> -> memref<128x128xf32, #tpu.memory_space<vmem_shared>>
      %dma_start3A_94 = arith.constant 0 : i32
      %dma_start3A_95 = tpu.memref_slice %arg12[%add3A_77, %dma_start3A_94] : memref<10240x128xf32, #tpu.memory_space<vmem_shared>> -> memref<128x128xf32, #tpu.memory_space<vmem_shared>>
      tpu.enqueue_dma source(%dma_start3A_95 : memref<128x128xf32, #tpu.memory_space<vmem_shared>>) target(%arg10 : memref<128x128xf32, #tpu.memory_space<vmem>>) target_semaphore(%run_scoped3A : memref<!tpu.dma_semaphore, #tpu.memory_space<semaphore_mem>>)
      %dma_wait3A_96 = arith.constant 0 : i32
      %dma_wait3A_97 = tpu.memref_slice %arg12[%add3A_77, %dma_wait3A_96] : memref<10240x128xf32, #tpu.memory_space<vmem_shared>> -> memref<128x128xf32, #tpu.memory_space<vmem_shared>>
      %dma_wait3A_98 = arith.constant 0 : i32
      %dma_wait3A_99 = tpu.memref_slice %arg12[%add3A_77, %dma_wait3A_98] : memref<10240x128xf32, #tpu.memory_space<vmem_shared>> -> memref<128x128xf32, #tpu.memory_space<vmem_shared>>
      tpu.wait_dma2 semaphore(%run_scoped3A : memref<!tpu.dma_semaphore, #tpu.memory_space<semaphore_mem>>) src(%dma_wait3A_99 : memref<128x128xf32, #tpu.memory_space<vmem_shared>>) dst(%arg10 : memref<128x128xf32, #tpu.memory_space<vmem>>)
      tpu.yield
    }) : () -> ()
    %add3A_78 = arith.constant 128 : i32
    %add3A_79 = arith.addi %mul3A_2, %add3A_78 : i32
    "tpu.region"() ({
      %run_scoped3A = tpu.sem_alloc : memref<!tpu.dma_semaphore, #tpu.memory_space<semaphore_mem>>
      %dma_start3A_92 = arith.constant 0 : i32
      %dma_start3A_93 = tpu.memref_slice %arg6[%arg0, %add3A_79, %dma_start3A_92] : memref<2x10240x128xf32, #tpu.memory_space<hbm>> -> memref<1x128x128xf32, #tpu.memory_space<hbm>>
      %dma_start3A_94 = tpu.memref_squeeze %dma_start3A_93 : memref<1x128x128xf32, #tpu.memory_space<hbm>> -> memref<128x128xf32, #tpu.memory_space<hbm>>
      %dma_start3A_95 = arith.constant 0 : i32
      %dma_start3A_96 = tpu.memref_slice %arg6[%arg0, %add3A_79, %dma_start3A_95] : memref<2x10240x128xf32, #tpu.memory_space<hbm>> -> memref<1x128x128xf32, #tpu.memory_space<hbm>>
      %dma_start3A_97 = tpu.memref_squeeze %dma_start3A_96 : memref<1x128x128xf32, #tpu.memory_space<hbm>> -> memref<128x128xf32, #tpu.memory_space<hbm>>
      tpu.enqueue_dma source(%arg10 : memref<128x128xf32, #tpu.memory_space<vmem>>) target(%dma_start3A_97 : memref<128x128xf32, #tpu.memory_space<hbm>>) target_semaphore(%run_scoped3A : memref<!tpu.dma_semaphore, #tpu.memory_space<semaphore_mem>>)
      %dma_wait3A_98 = arith.constant 0 : i32
      %dma_wait3A_99 = tpu.memref_slice %arg6[%arg0, %add3A_79, %dma_wait3A_98] : memref<2x10240x128xf32, #tpu.memory_space<hbm>> -> memref<1x128x128xf32, #tpu.memory_space<hbm>>
      %dma_wait3A_100 = tpu.memref_squeeze %dma_wait3A_99 : memref<1x128x128xf32, #tpu.memory_space<hbm>> -> memref<128x128xf32, #tpu.memory_space<hbm>>
      %dma_wait3A_101 = arith.constant 0 : i32
      %dma_wait3A_102 = tpu.memref_slice %arg6[%arg0, %add3A_79, %dma_wait3A_101] : memref<2x10240x128xf32, #tpu.memory_space<hbm>> -> memref<1x128x128xf32, #tpu.memory_space<hbm>>
      %dma_wait3A_103 = tpu.memref_squeeze %dma_wait3A_102 : memref<1x128x128xf32, #tpu.memory_space<hbm>> -> memref<128x128xf32, #tpu.memory_space<hbm>>
      tpu.wait_dma2 semaphore(%run_scoped3A : memref<!tpu.dma_semaphore, #tpu.memory_space<semaphore_mem>>) src(%arg10 : memref<128x128xf32, #tpu.memory_space<vmem>>) dst(%dma_wait3A_103 : memref<128x128xf32, #tpu.memory_space<hbm>>)
      tpu.yield
    }) : () -> ()
    %add3A_80 = arith.constant 256 : i32
    %add3A_81 = arith.addi %mul3A_2, %add3A_80 : i32
    "tpu.region"() ({
      %run_scoped3A = tpu.sem_alloc : memref<!tpu.dma_semaphore, #tpu.memory_space<semaphore_mem>>
      %dma_start3A_92 = arith.constant 0 : i32
      %dma_start3A_93 = tpu.memref_slice %arg12[%add3A_81, %dma_start3A_92] : memref<10240x128xf32, #tpu.memory_space<vmem_shared>> -> memref<128x128xf32, #tpu.memory_space<vmem_shared>>
      %dma_start3A_94 = arith.constant 0 : i32
      %dma_start3A_95 = tpu.memref_slice %arg12[%add3A_81, %dma_start3A_94] : memref<10240x128xf32, #tpu.memory_space<vmem_shared>> -> memref<128x128xf32, #tpu.memory_space<vmem_shared>>
      tpu.enqueue_dma source(%dma_start3A_95 : memref<128x128xf32, #tpu.memory_space<vmem_shared>>) target(%arg10 : memref<128x128xf32, #tpu.memory_space<vmem>>) target_semaphore(%run_scoped3A : memref<!tpu.dma_semaphore, #tpu.memory_space<semaphore_mem>>)
      %dma_wait3A_96 = arith.constant 0 : i32
      %dma_wait3A_97 = tpu.memref_slice %arg12[%add3A_81, %dma_wait3A_96] : memref<10240x128xf32, #tpu.memory_space<vmem_shared>> -> memref<128x128xf32, #tpu.memory_space<vmem_shared>>
      %dma_wait3A_98 = arith.constant 0 : i32
      %dma_wait3A_99 = tpu.memref_slice %arg12[%add3A_81, %dma_wait3A_98] : memref<10240x128xf32, #tpu.memory_space<vmem_shared>> -> memref<128x128xf32, #tpu.memory_space<vmem_shared>>
      tpu.wait_dma2 semaphore(%run_scoped3A : memref<!tpu.dma_semaphore, #tpu.memory_space<semaphore_mem>>) src(%dma_wait3A_99 : memref<128x128xf32, #tpu.memory_space<vmem_shared>>) dst(%arg10 : memref<128x128xf32, #tpu.memory_space<vmem>>)
      tpu.yield
    }) : () -> ()
    %add3A_82 = arith.constant 256 : i32
    %add3A_83 = arith.addi %mul3A_2, %add3A_82 : i32
    "tpu.region"() ({
      %run_scoped3A = tpu.sem_alloc : memref<!tpu.dma_semaphore, #tpu.memory_space<semaphore_mem>>
      %dma_start3A_92 = arith.constant 0 : i32
      %dma_start3A_93 = tpu.memref_slice %arg6[%arg0, %add3A_83, %dma_start3A_92] : memref<2x10240x128xf32, #tpu.memory_space<hbm>> -> memref<1x128x128xf32, #tpu.memory_space<hbm>>
      %dma_start3A_94 = tpu.memref_squeeze %dma_start3A_93 : memref<1x128x128xf32, #tpu.memory_space<hbm>> -> memref<128x128xf32, #tpu.memory_space<hbm>>
      %dma_start3A_95 = arith.constant 0 : i32
      %dma_start3A_96 = tpu.memref_slice %arg6[%arg0, %add3A_83, %dma_start3A_95] : memref<2x10240x128xf32, #tpu.memory_space<hbm>> -> memref<1x128x128xf32, #tpu.memory_space<hbm>>
      %dma_start3A_97 = tpu.memref_squeeze %dma_start3A_96 : memref<1x128x128xf32, #tpu.memory_space<hbm>> -> memref<128x128xf32, #tpu.memory_space<hbm>>
      tpu.enqueue_dma source(%arg10 : memref<128x128xf32, #tpu.memory_space<vmem>>) target(%dma_start3A_97 : memref<128x128xf32, #tpu.memory_space<hbm>>) target_semaphore(%run_scoped3A : memref<!tpu.dma_semaphore, #tpu.memory_space<semaphore_mem>>)
      %dma_wait3A_98 = arith.constant 0 : i32
      %dma_wait3A_99 = tpu.memref_slice %arg6[%arg0, %add3A_83, %dma_wait3A_98] : memref<2x10240x128xf32, #tpu.memory_space<hbm>> -> memref<1x128x128xf32, #tpu.memory_space<hbm>>
      %dma_wait3A_100 = tpu.memref_squeeze %dma_wait3A_99 : memref<1x128x128xf32, #tpu.memory_space<hbm>> -> memref<128x128xf32, #tpu.memory_space<hbm>>
      %dma_wait3A_101 = arith.constant 0 : i32
      %dma_wait3A_102 = tpu.memref_slice %arg6[%arg0, %add3A_83, %dma_wait3A_101] : memref<2x10240x128xf32, #tpu.memory_space<hbm>> -> memref<1x128x128xf32, #tpu.memory_space<hbm>>
      %dma_wait3A_103 = tpu.memref_squeeze %dma_wait3A_102 : memref<1x128x128xf32, #tpu.memory_space<hbm>> -> memref<128x128xf32, #tpu.memory_space<hbm>>
      tpu.wait_dma2 semaphore(%run_scoped3A : memref<!tpu.dma_semaphore, #tpu.memory_space<semaphore_mem>>) src(%arg10 : memref<128x128xf32, #tpu.memory_space<vmem>>) dst(%dma_wait3A_103 : memref<128x128xf32, #tpu.memory_space<hbm>>)
      tpu.yield
    }) : () -> ()
    %add3A_84 = arith.constant 384 : i32
    %add3A_85 = arith.addi %mul3A_2, %add3A_84 : i32
    "tpu.region"() ({
      %run_scoped3A = tpu.sem_alloc : memref<!tpu.dma_semaphore, #tpu.memory_space<semaphore_mem>>
      %dma_start3A_92 = arith.constant 0 : i32
      %dma_start3A_93 = tpu.memref_slice %arg12[%add3A_85, %dma_start3A_92] : memref<10240x128xf32, #tpu.memory_space<vmem_shared>> -> memref<128x128xf32, #tpu.memory_space<vmem_shared>>
      %dma_start3A_94 = arith.constant 0 : i32
      %dma_start3A_95 = tpu.memref_slice %arg12[%add3A_85, %dma_start3A_94] : memref<10240x128xf32, #tpu.memory_space<vmem_shared>> -> memref<128x128xf32, #tpu.memory_space<vmem_shared>>
      tpu.enqueue_dma source(%dma_start3A_95 : memref<128x128xf32, #tpu.memory_space<vmem_shared>>) target(%arg10 : memref<128x128xf32, #tpu.memory_space<vmem>>) target_semaphore(%run_scoped3A : memref<!tpu.dma_semaphore, #tpu.memory_space<semaphore_mem>>)
      %dma_wait3A_96 = arith.constant 0 : i32
      %dma_wait3A_97 = tpu.memref_slice %arg12[%add3A_85, %dma_wait3A_96] : memref<10240x128xf32, #tpu.memory_space<vmem_shared>> -> memref<128x128xf32, #tpu.memory_space<vmem_shared>>
      %dma_wait3A_98 = arith.constant 0 : i32
      %dma_wait3A_99 = tpu.memref_slice %arg12[%add3A_85, %dma_wait3A_98] : memref<10240x128xf32, #tpu.memory_space<vmem_shared>> -> memref<128x128xf32, #tpu.memory_space<vmem_shared>>
      tpu.wait_dma2 semaphore(%run_scoped3A : memref<!tpu.dma_semaphore, #tpu.memory_space<semaphore_mem>>) src(%dma_wait3A_99 : memref<128x128xf32, #tpu.memory_space<vmem_shared>>) dst(%arg10 : memref<128x128xf32, #tpu.memory_space<vmem>>)
      tpu.yield
    }) : () -> ()
    %add3A_86 = arith.constant 384 : i32
    %add3A_87 = arith.addi %mul3A_2, %add3A_86 : i32
    "tpu.region"() ({
      %run_scoped3A = tpu.sem_alloc : memref<!tpu.dma_semaphore, #tpu.memory_space<semaphore_mem>>
      %dma_start3A_92 = arith.constant 0 : i32
      %dma_start3A_93 = tpu.memref_slice %arg6[%arg0, %add3A_87, %dma_start3A_92] : memref<2x10240x128xf32, #tpu.memory_space<hbm>> -> memref<1x128x128xf32, #tpu.memory_space<hbm>>
      %dma_start3A_94 = tpu.memref_squeeze %dma_start3A_93 : memref<1x128x128xf32, #tpu.memory_space<hbm>> -> memref<128x128xf32, #tpu.memory_space<hbm>>
      %dma_start3A_95 = arith.constant 0 : i32
      %dma_start3A_96 = tpu.memref_slice %arg6[%arg0, %add3A_87, %dma_start3A_95] : memref<2x10240x128xf32, #tpu.memory_space<hbm>> -> memref<1x128x128xf32, #tpu.memory_space<hbm>>
      %dma_start3A_97 = tpu.memref_squeeze %dma_start3A_96 : memref<1x128x128xf32, #tpu.memory_space<hbm>> -> memref<128x128xf32, #tpu.memory_space<hbm>>
      tpu.enqueue_dma source(%arg10 : memref<128x128xf32, #tpu.memory_space<vmem>>) target(%dma_start3A_97 : memref<128x128xf32, #tpu.memory_space<hbm>>) target_semaphore(%run_scoped3A : memref<!tpu.dma_semaphore, #tpu.memory_space<semaphore_mem>>)
      %dma_wait3A_98 = arith.constant 0 : i32
      %dma_wait3A_99 = tpu.memref_slice %arg6[%arg0, %add3A_87, %dma_wait3A_98] : memref<2x10240x128xf32, #tpu.memory_space<hbm>> -> memref<1x128x128xf32, #tpu.memory_space<hbm>>
      %dma_wait3A_100 = tpu.memref_squeeze %dma_wait3A_99 : memref<1x128x128xf32, #tpu.memory_space<hbm>> -> memref<128x128xf32, #tpu.memory_space<hbm>>
      %dma_wait3A_101 = arith.constant 0 : i32
      %dma_wait3A_102 = tpu.memref_slice %arg6[%arg0, %add3A_87, %dma_wait3A_101] : memref<2x10240x128xf32, #tpu.memory_space<hbm>> -> memref<1x128x128xf32, #tpu.memory_space<hbm>>
      %dma_wait3A_103 = tpu.memref_squeeze %dma_wait3A_102 : memref<1x128x128xf32, #tpu.memory_space<hbm>> -> memref<128x128xf32, #tpu.memory_space<hbm>>
      tpu.wait_dma2 semaphore(%run_scoped3A : memref<!tpu.dma_semaphore, #tpu.memory_space<semaphore_mem>>) src(%arg10 : memref<128x128xf32, #tpu.memory_space<vmem>>) dst(%dma_wait3A_103 : memref<128x128xf32, #tpu.memory_space<hbm>>)
      tpu.yield
    }) : () -> ()
    %add3A_88 = arith.constant 512 : i32
    %add3A_89 = arith.addi %mul3A_2, %add3A_88 : i32
    "tpu.region"() ({
      %run_scoped3A = tpu.sem_alloc : memref<!tpu.dma_semaphore, #tpu.memory_space<semaphore_mem>>
      %dma_start3A_92 = arith.constant 0 : i32
      %dma_start3A_93 = tpu.memref_slice %arg12[%add3A_89, %dma_start3A_92] : memref<10240x128xf32, #tpu.memory_space<vmem_shared>> -> memref<128x128xf32, #tpu.memory_space<vmem_shared>>
      %dma_start3A_94 = arith.constant 0 : i32
      %dma_start3A_95 = tpu.memref_slice %arg12[%add3A_89, %dma_start3A_94] : memref<10240x128xf32, #tpu.memory_space<vmem_shared>> -> memref<128x128xf32, #tpu.memory_space<vmem_shared>>
      tpu.enqueue_dma source(%dma_start3A_95 : memref<128x128xf32, #tpu.memory_space<vmem_shared>>) target(%arg10 : memref<128x128xf32, #tpu.memory_space<vmem>>) target_semaphore(%run_scoped3A : memref<!tpu.dma_semaphore, #tpu.memory_space<semaphore_mem>>)
      %dma_wait3A_96 = arith.constant 0 : i32
      %dma_wait3A_97 = tpu.memref_slice %arg12[%add3A_89, %dma_wait3A_96] : memref<10240x128xf32, #tpu.memory_space<vmem_shared>> -> memref<128x128xf32, #tpu.memory_space<vmem_shared>>
      %dma_wait3A_98 = arith.constant 0 : i32
      %dma_wait3A_99 = tpu.memref_slice %arg12[%add3A_89, %dma_wait3A_98] : memref<10240x128xf32, #tpu.memory_space<vmem_shared>> -> memref<128x128xf32, #tpu.memory_space<vmem_shared>>
      tpu.wait_dma2 semaphore(%run_scoped3A : memref<!tpu.dma_semaphore, #tpu.memory_space<semaphore_mem>>) src(%dma_wait3A_99 : memref<128x128xf32, #tpu.memory_space<vmem_shared>>) dst(%arg10 : memref<128x128xf32, #tpu.memory_space<vmem>>)
      tpu.yield
    }) : () -> ()
    %add3A_90 = arith.constant 512 : i32
    %add3A_91 = arith.addi %mul3A_2, %add3A_90 : i32
    "tpu.region"() ({
      %run_scoped3A = tpu.sem_alloc : memref<!tpu.dma_semaphore, #tpu.memory_space<semaphore_mem>>
      %dma_start3A_92 = arith.constant 0 : i32
      %dma_start3A_93 = tpu.memref_slice %arg6[%arg0, %add3A_91, %dma_start3A_92] : memref<2x10240x128xf32, #tpu.memory_space<hbm>> -> memref<1x128x128xf32, #tpu.memory_space<hbm>>
      %dma_start3A_94 = tpu.memref_squeeze %dma_start3A_93 : memref<1x128x128xf32, #tpu.memory_space<hbm>> -> memref<128x128xf32, #tpu.memory_space<hbm>>
      %dma_start3A_95 = arith.constant 0 : i32
      %dma_start3A_96 = tpu.memref_slice %arg6[%arg0, %add3A_91, %dma_start3A_95] : memref<2x10240x128xf32, #tpu.memory_space<hbm>> -> memref<1x128x128xf32, #tpu.memory_space<hbm>>
      %dma_start3A_97 = tpu.memref_squeeze %dma_start3A_96 : memref<1x128x128xf32, #tpu.memory_space<hbm>> -> memref<128x128xf32, #tpu.memory_space<hbm>>
      tpu.enqueue_dma source(%arg10 : memref<128x128xf32, #tpu.memory_space<vmem>>) target(%dma_start3A_97 : memref<128x128xf32, #tpu.memory_space<hbm>>) target_semaphore(%run_scoped3A : memref<!tpu.dma_semaphore, #tpu.memory_space<semaphore_mem>>)
      %dma_wait3A_98 = arith.constant 0 : i32
      %dma_wait3A_99 = tpu.memref_slice %arg6[%arg0, %add3A_91, %dma_wait3A_98] : memref<2x10240x128xf32, #tpu.memory_space<hbm>> -> memref<1x128x128xf32, #tpu.memory_space<hbm>>
      %dma_wait3A_100 = tpu.memref_squeeze %dma_wait3A_99 : memref<1x128x128xf32, #tpu.memory_space<hbm>> -> memref<128x128xf32, #tpu.memory_space<hbm>>
      %dma_wait3A_101 = arith.constant 0 : i32
      %dma_wait3A_102 = tpu.memref_slice %arg6[%arg0, %add3A_91, %dma_wait3A_101] : memref<2x10240x128xf32, #tpu.memory_space<hbm>> -> memref<1x128x128xf32, #tpu.memory_space<hbm>>
      %dma_wait3A_103 = tpu.memref_squeeze %dma_wait3A_102 : memref<1x128x128xf32, #tpu.memory_space<hbm>> -> memref<128x128xf32, #tpu.memory_space<hbm>>
      tpu.wait_dma2 semaphore(%run_scoped3A : memref<!tpu.dma_semaphore, #tpu.memory_space<semaphore_mem>>) src(%arg10 : memref<128x128xf32, #tpu.memory_space<vmem>>) dst(%dma_wait3A_103 : memref<128x128xf32, #tpu.memory_space<hbm>>)
      tpu.yield
    }) : () -> ()
    return
  }
}

module attributes {stable_mosaic.version = 14 : i64} {
  func.func @body(%arg0: memref<2x10240x128xf32, #tpu.memory_space<vmem>>, %arg1: memref<2x16x80x128xf32, #tpu.memory_space<vmem>>, %arg2: memref<128x128xf32, #tpu.memory_space<vmem>>, %arg3: memref<1x128xf32, #tpu.memory_space<vmem>>, %arg4: memref<10240x128xf32, #tpu.memory_space<vmem>>) attributes {dimension_semantics = [], scalar_prefetch = 0 : i64, scratch_operands = 0 : i64, tpu.core_type = #tpu.core_type<tc>} {
    %get3A = arith.constant 0 : index
    %get3A_0 = arith.constant 0 : index
    %get3A_1 = arith.constant 0 : index
    %get3A_2 = vector.load %arg0[%get3A, %get3A_0, %get3A_1] : memref<2x10240x128xf32, #tpu.memory_space<vmem>>, vector<1x10240x128xf32>
    %get3A_3 = vector.shape_cast %get3A_2 : vector<1x10240x128xf32> to vector<10240x128xf32>
    %get3A_4 = arith.constant 1 : index
    %get3A_5 = arith.constant 0 : index
    %get3A_6 = arith.constant 0 : index
    %get3A_7 = vector.load %arg0[%get3A_4, %get3A_5, %get3A_6] : memref<2x10240x128xf32, #tpu.memory_space<vmem>>, vector<1x10240x128xf32>
    %get3A_8 = vector.shape_cast %get3A_7 : vector<1x10240x128xf32> to vector<10240x128xf32>
    %add3A = arith.addf %get3A_3, %get3A_8 : vector<10240x128xf32>
    %get3A_9 = arith.constant 0 : index
    %get3A_10 = arith.constant 0 : index
    %get3A_11 = arith.constant 0 : index
    %get3A_12 = arith.constant 0 : index
    %get3A_13 = vector.load %arg1[%get3A_9, %get3A_10, %get3A_11, %get3A_12] : memref<2x16x80x128xf32, #tpu.memory_space<vmem>>, vector<2x16x80x128xf32>
    %reduce_sum3A = arith.constant dense<0.000000e+00> : vector<80x128xf32>
    %reduce_sum3A_14 = vector.multi_reduction <add>, %get3A_13, %reduce_sum3A [0, 1] : vector<2x16x80x128xf32> to vector<80x128xf32>
    %broadcast_in_dim3A = vector.shape_cast %reduce_sum3A_14 : vector<80x128xf32> to vector<80x128x1xf32>
    %broadcast_in_dim3A_15 = vector.shape_cast %broadcast_in_dim3A : vector<80x128x1xf32> to vector<80x128x1xf32>
    %broadcast_in_dim3A_16 = vector.broadcast %broadcast_in_dim3A_15 : vector<80x128x1xf32> to vector<80x128x128xf32>
    %reshape3A = vector.shape_cast %broadcast_in_dim3A_16 : vector<80x128x128xf32> to vector<10240x128xf32>
    %max3A = arith.constant 1.000000e+00 : f32
    %max3A_17 = vector.broadcast %max3A : f32 to vector<10240x128xf32>
    %max3A_18 = arith.maximumf %reshape3A, %max3A_17 : vector<10240x128xf32>
    %div3A = arith.divf %add3A, %max3A_18 : vector<10240x128xf32>
    %get3A_19 = arith.constant 0 : index
    %get3A_20 = arith.constant 0 : index
    %get3A_21 = vector.load %arg2[%get3A_19, %get3A_20] : memref<128x128xf32, #tpu.memory_space<vmem>>, vector<128x128xf32>
    %dot_general3A = arith.constant dense<0.000000e+00> : vector<10240x128xf32>
    %dot_general3A_22 = tpu.matmul %div3A, %get3A_21, %dot_general3A {dimension_numbers = #tpu.dot_dimension_numbers<[1], [1], [0], [0], [0, 0, 1, 0], [], []>, transpose_lhs_hint = false} : vector<10240x128xf32>, vector<128x128xf32>, vector<10240x128xf32> -> vector<10240x128xf32>
    %get3A_23 = arith.constant 0 : index
    %get3A_24 = arith.constant 0 : index
    %get3A_25 = vector.load %arg3[%get3A_23, %get3A_24] : memref<1x128xf32, #tpu.memory_space<vmem>>, vector<1x128xf32>
    %add3A_26 = vector.broadcast %get3A_25 : vector<1x128xf32> to vector<10240x128xf32>
    %add3A_27 = arith.addf %dot_general3A_22, %add3A_26 : vector<10240x128xf32>
    %swap3A = arith.constant 0 : index
    %swap3A_28 = arith.constant 0 : index
    %swap3A_29 = vector.load %arg4[%swap3A, %swap3A_28] : memref<10240x128xf32, #tpu.memory_space<vmem>>, vector<10240x128xf32>
    tpu.vector_store %arg4[%swap3A, %swap3A_28], %add3A_27 {strides = array<i32>} : memref<10240x128xf32, #tpu.memory_space<vmem>>, vector<10240x128xf32>,
    return
  }
}

</mosaic_0001>

<sc_bundles>
// kernel: kernel.4.cloned.1.call-start
scs
__scs_entry_jumppad:
0x0: {  	(pc) =	sbr.rel $0x88, $3  }
0x1: {  	(tag) =	ssettag $0x0;
	lr =	simm.s32 $0x1  }
0x2: {  	[smem:$0x3F9D] =	sst lr;
	_ =	strace $0xD0000000  }
0x3: {  	_ = 	snop  }
0x4: {  	_ = 	snop  }
0x5: {  	_ = 	snop  }
0x6: {  	_ = 	snop  }
0x7: {  	_ = 	snop  }
__scs_overlays_trampoline_lowered:
0x8: {  	[smem:$0x3FAC] =	sst s0  }
0x9: {  	[smem:$0x3FAD] =	sst s1  }
0xa: {  	[smem:$0x3FAE] =	sst s2  }
0xb: {  	[smem:$0x3FAF] =	sst s3  }
0xc: {  	[smem:$0x3FB0] =	sst s4  }
0xd: {  	[smem:$0x3FB1] =	sst s5  }
0xe: {  	[smem:$0x3FB2] =	sst s6  }
0xf: {  	[smem:$0x3FB3] =	sst s7  }
0x10: {  	[smem:$0x3FB4] =	sst s8  }
0x11: {  	[smem:$0x3FB5] =	sst s9;
	s0 =	simm.s32 @!p0 $0x0  }
0x12: {  	s1 =	sld [smem:$0x3F9B];
	s0 =	simm.s32 @p0 $0x1  }
0x13: {  	[smem:$0x3FB6] =	sst s0;
	s0 =	simm.s32 @!p1 $0x0  }
0x14: {  	s2 =	sld [smem:$0x3F9A];
	s0 =	simm.s32 @p1 $0x1  }
0x15: {  	[smem:$0x3FB7] =	sst s0;
	s0 =	simm.s32 @!p2 $0x0  }
0x16: {  	s3 =	sld [smem:$0x3FDB];
	s0 =	simm.s32 @p2 $0x1  }
0x17: {  	s4 =	simm.s32 $0x1BF5;
	[smem:$0x3FB9] =	sst s0  }
0x18: {  	s0 =	sld [smem:$0x3F9C];
	_ =	swait.ge [sflag:s4], $0x0  }
0x19: {  	s7 =	sld [smem:$0x3F9D]  }
0x1a: {  	s8 =	sadd.s32 $0xFFFFE003, lr  }
0x1b: {  	s9 =	sadd.s32 $0xFFFFFEF7, lr;
	s5 =	simm.s32 $0xFFFFFFFF;
	p2 =	slt.u32 s8, $0xFFFFF086  }
0x1c: {  	p1 =	slt.u32 s9, $0xF7A;
	s5 =	simm.s32 @!p2 $0x0  }
0x1d: {  	s5 =	simm.s32 @p1 $0x1;
	p0 =	seq.s32 s7, s2  }
0x1e: {  	s7 =	smul.u32 @!p0 $0xF7A, s2;
	p2 =	seq.s32 @!p0 s5, $0x0  }
0x1f: {  	s9 =	smul.u32 $0xF7A, s1;
	s8 =	simm.s32 @!p0 $0x1BF5;
	p2 =	por !p2, p0  }
0x20: {  	[sflag:s8] =	ssyncset.s32 @!p0 $0xFFFFF086;
	s6 =	sadd.s32 @!p0 s3, s7;
	s7 =	simm.s32 @!p0 $0x108  }
0x21: {  	s3 =	sadd.s32 s3, s9;
	s6 =	sadd.s32 @!p0 $0x88, s6;
	s7 =	simm.s32 @p2 $0x1082  }
0x22: {  	[simem:s7], [sflag:s8] =	dma.local @!p0 [hbm:s6], $0xF7A  }
0x23: {  	s9 =	sor.u32 $0xD0000000, s2;
	s6 =	simm.s32 $0x108;
	_ =	swait.ge @!p0 [sflag:s8], $0x0  }
0x24: {  	s3 =	sadd.s32 $0x88, s3;
	s6 =	simm.s32 @!p1 $0x1082;
	[sflag:s4] =	ssyncset.s32 $0xFFFFF086  }
0x25: {  	[simem:s6], [sflag:s4] =	dma.local [hbm:s3], $0xF7A  }
0x26: {  	[smem:$0x3F9D] =	sst s1;
	(tag) =	ssettag s2;
	_ =	strace s9  }
0x27: {  	s1 =	sld [smem:$0x3FAD]  }
0x28: {  	s2 =	sld [smem:$0x3FAE]  }
0x29: {  	s4 =	sld [smem:$0x3FB0]  }
0x2a: {  	p0 =	seq.s32 s5, $0x0;
	s5 =	sld [smem:$0x3FB1]  }
0x2b: {  	s6 =	sld [smem:$0x3FB2]  }
0x2c: {  	s7 =	sld [smem:$0x3FB3]  }
0x2d: {  	s3 =	simm.s32 $0x108;
	s8 =	sld [smem:$0x3FB4]  }
0x2e: {  	s3 =	simm.s32 @!p0 $0x1082;
	s9 =	sld [smem:$0x3FB5]  }
0x2f: {  	lr =	sadd.s32 s0, s3;
	s0 =	sld [smem:$0x3FAC]  }
0x30: {  	s3 =	sld [smem:$0x3FAF]  }
0x31: {  	[smem:$0x3FB8] =	sst s10  }
0x32: {  	s10 =	sld [smem:$0x3FB6];
	_ =	sdelay $0x3  }
0x33: {  	p0 =	seq.s32 s10, $0x1;
	s10 =	sld [smem:$0x3FB8];
	_ =	sdelay $0x3  }
0x34: {  	[smem:$0x3FB8] =	sst s10  }
0x35: {  	s10 =	sld [smem:$0x3FB7];
	_ =	sdelay $0x3  }
0x36: {  	p1 =	seq.s32 s10, $0x1;
	s10 =	sld [smem:$0x3FB8];
	_ =	sdelay $0x3  }
0x37: {  	[smem:$0x3FB8] =	sst s10  }
0x38: {  	s10 =	sld [smem:$0x3FB9]  }
0x39: {  	_ = 	snop;
	(pc) =	sbr.ind lr, $3  }
0x3a: {  	_ = 	snop  }
0x3b: {  	_ = 	snop  }
0x3c: {  	p2 =	seq.s32 s10, $0x1;
	s10 =	sld [smem:$0x3FB8]  }
0x3d: {  	_ =	shalt  }
0x3e: {  	_ =	shalt  }
0x3f: {  	_ =	shalt  }
0x40: {  	_ =	shalt  }
0x41: {  	_ =	shalt  }
0x42: {  	_ =	shalt  }
0x43: {  	_ =	shalt  }
0x44: {  	_ =	shalt  }
0x45: {  	_ =	shalt  }
0x46: {  	_ =	shalt  }
0x47: {  	_ =	shalt  }
0x48: {  	_ =	shalt  }
0x49: {  	_ =	shalt  }
0x4a: {  	_ =	shalt  }
0x4b: {  	_ =	shalt  }
0x4c: {  	_ =	shalt  }
0x4d: {  	_ =	shalt  }
0x4e: {  	_ =	shalt  }
0x4f: {  	_ =	shalt  }
0x50: {  	_ =	shalt  }
0x51: {  	_ =	shalt  }
0x52: {  	_ =	shalt  }
0x53: {  	_ =	shalt  }
0x54: {  	_ =	shalt  }
0x55: {  	_ =	shalt  }
0x56: {  	_ =	shalt  }
0x57: {  	_ =	shalt  }
0x58: {  	_ =	shalt  }
0x59: {  	_ =	shalt  }
0x5a: {  	_ =	shalt  }
0x5b: {  	_ =	shalt  }
0x5c: {  	_ =	shalt  }
0x5d: {  	_ =	shalt  }
0x5e: {  	_ =	shalt  }
0x5f: {  	_ =	shalt  }
0x60: {  	_ =	shalt  }
0x61: {  	_ =	shalt  }
0x62: {  	_ =	shalt  }
0x63: {  	_ =	shalt  }
0x64: {  	_ =	shalt  }
0x65: {  	_ =	shalt  }
0x66: {  	_ =	shalt  }
0x67: {  	_ =	shalt  }
0x68: {  	_ =	shalt  }
0x69: {  	_ =	shalt  }
0x6a: {  	_ =	shalt  }
0x6b: {  	_ =	shalt  }
0x6c: {  	_ =	shalt  }
0x6d: {  	_ =	shalt  }
0x6e: {  	_ =	shalt  }
0x6f: {  	_ =	shalt  }
0x70: {  	_ =	shalt  }
0x71: {  	_ =	shalt  }
0x72: {  	_ =	shalt  }
0x73: {  	_ =	shalt  }
0x74: {  	_ =	shalt  }
0x75: {  	_ =	shalt  }
0x76: {  	_ =	shalt  }
0x77: {  	_ =	shalt  }
0x78: {  	_ =	shalt  }
0x79: {  	_ =	shalt  }
0x7a: {  	_ =	shalt  }
0x7b: {  	_ =	shalt  }
0x7c: {  	_ =	shalt  }
0x7d: {  	_ =	shalt  }
0x7e: {  	_ =	shalt  }
0x7f: {  	_ =	shalt  }
0x80: {  	_ =	shalt  }
0x81: {  	_ =	shalt  }
0x82: {  	_ =	shalt  }
0x83: {  	_ =	shalt  }
0x84: {  	_ =	shalt  }
0x85: {  	_ =	shalt  }
0x86: {  	_ =	shalt  }
0x87: {  	_ =	shalt  }
.Lfunc_end0:
.L_simem_size_0:
called_computation_lowered:
.L_overlay_start_0:
0x88: {  	s2 =	sld [smem:$0x3FD9]  }
0x89: {  	s3 =	sld [smem:$0x3FFE];
	_ =	sdelay $0x1  }
0x8a: {  	s1 =	srdreg.scid  }
0x8b: {  	s0 =	sand.u32 $0x1, s1  }
0x8c: {  	s17 =	sshll.u32 s0, $0xA;
	s2 =	sadd.s32 s3, s2  }
0x8d: {  	s2 =	sadd.s32 s2, s17  }
0x8e: {  	[smem:$0x3FC4] =	sst s2  }
0x8f: {  	_ = 	snop  }
0x90: {  	s2 =	sld [smem:$0x3FC9]  }
0x91: {  	s18 =	sld [smem:$0x3FD0];
	(tm) =	ssettm $0x1  }
0x92: {  	s4 =	sld [smem:$0x3FFB];
	_ =	sdelay $0x3  }
0x93: {  	_ =	strace s4  }
0x94: {  	s4 =	sld [smem:$0x3FFC];
	_ =	sdelay $0x3  }
0x95: {  	_ =	strace s4  }
0x96: {  	s4 =	sld [smem:$0x3FFD];
	_ =	sdelay $0x3  }
0x97: {  	_ =	strace s4  }
0x98: {  	_ =	strace $0x8FFFFFFF  }
0x99: {  	s19 =	sld [smem:$0x3FDB];
	_ =	sdelay $0x1  }
0x9a: {  	s5 =	simm.s32 $_scs_section_size  }
0x9b: {  	s6 =	simm.s32 $_size__tile_overlayer_lowered;
	s7 =	simm.s32 $_tile_overlayer_lowered  }
0x9c: {  	s22 =	simm.s32 $0x1BFF;
	s21 =	sshll.u32 s7, $0x1;
	s4 =	sadd.s32 s5, s19  }
0x9d: {  	s8 =	simm.s32 $0x0;
	s20 =	sshll.u32 s6, $0x1;
	s6 =	sadd.s32 s21, s4  }
0x9e: {  	[timem:s8], [sflag:s22] =	dma.local [hbm:s6], s20  }
0x9f: {  	_ =	swait.ge [sflag:s22], s20  }
0xa0: {  	s5 =	ssub.s32 $0x0, s20;
	[sflag:s22] =	ssyncset.done $0x0  }
0xa1: {  	[sflag:s22] =	ssyncadd.s32 s5;
	_ =	sdelay $0x1  }
0xa2: {  	s23 =	simm.s32 $0x1B8B  }
0xa3: {  	_ =	swait.ge [sflag:s23], $0x1  }
0xa4: {  	[sflag:s23] =	ssyncset.done $0x0  }
0xa5: {  	s25 =	simm.s32 $0x1B8E;
	s24 =	sld [smem:$0x3FFE];
	[sflag:s23] =	ssyncadd.s32 $0xFFFFFFFF  }
0xa6: {  	s26 =	simm.s32 $execute0_lowered;
	[smem:$0x3FD2] =	sst s25  }
0xa7: {  	s6 =	sshll.u32 s26, $0x1;
	_ =	strace $0x80000046;
	[dreg:$0x1] =	wrdreg $0xFFFFFFFF  }
0xa8: {  	s28 =	simm.s32 $_size_execute0_lowered;
	s4 =	sadd.s32 s4, s6;
	[dreg:$0x0] =	wrdreg $0x0  }
0xa9: {  	s6 =	sshll.u32 s28, $0x1;
	[dreg:$0x2] =	wrdreg s4  }
0xaa: {  	[dreg:$0x3] =	wrdreg s6  }
0xab: {  	[dreg:$0x4] =	wrdreg $0xC0  }
0xac: {  	_ =	task [dreg:s8], $0x5FFFF  }
0xad: {  	[dreg:$0x1] =	wrdreg $0xFFFFFFFF  }
0xae: {  	[dreg:$0x0] =	wrdreg $0x60  }
0xaf: {  	[dreg:$0x2] =	wrdreg s2  }
0xb0: {  	[dreg:$0x3] =	wrdreg s18  }
0xb1: {  	[dreg:$0x4] =	wrdreg s24  }
0xb2: {  	[dreg:$0x5] =	wrdreg $0xB8000  }
0xb3: {  	[dreg:$0x6] =	wrdreg $0x9  }
0xb4: {  	_ =	task.clear_ibuf [dreg:s8], $0x7FFFF;
	_ =	strace $0x90000046  }
0xb5: {  	s29 =	simm.s32 $0x9;
	_ =	strace $0x80000048  }
0xb6: {  	_ =	swait.ge [sflag:s29], $0x1  }
0xb7: {  	[sflag:s29] =	ssyncadd.s32 $0xFFFFFFFF  }
0xb8: {  	_ =	strace $0x90000048  }
0xb9: {  	_ =	sfence  }
0xba: {  	s30 =	sld [smem:$0x0];
	_ =	sdelay $0x2  }
0xbb: {  	s31 =	sshll.u32 s1, $0xD;
	s1 =	sshrl.u32 s1, $0x2  }
0xbc: {  	s3 =	sand.u32 $0x4000, s31;
	s1 =	sadd.s32 s1, s30  }
0xbd: {  	s0 =	sor.u32 s3, s0;
	s1 =	sshll.u32 s1, $0x11  }
0xbe: {  	s0 =	sor.u32 s1, s0  }
0xbf: {  	s0 =	sadd.s32 $0x8F2B, s0  }
0xc0: {  	[sflag:s0] =	ssyncadd.remote.s32 $0x1  }
0xc1: {  	_ =	sfence.sel $0xFFFF  }
0xc2: {  	[dreg:$0x0] =	wrdreg $0xFFFFFFFF;
	(pc) =	sbr.abs _section_cstart, $3  }
0xc3: {  	[dreg:$0x1] =	wrdreg $0xFFFFFFFF  }
0xc4: {  	_ =	task.clear_ibuf [dreg:s8], $0x2FFFF;
	_ =	strace $0x9FFFFFFF  }
0xc5: {  	(tm) =	ssettm $0x7FFFFFFF  }
tec
execute0_lowered:
.L_overlay_start_1:
0x0: {  	(tag) =	ssettag $0x1  }
0x1: {  	s1 =	rddreg [dreg:$0x0]  }
0x2: {  	s0 =	srdreg.scid;
	s11 =	rddreg [dreg:$0x1]  }
0x3: {  	s6 =	rddreg [dreg:$0x2];
	s8 =	sand.u32 $0x1, s0  }
0x4: {  	s0 =	stileid.u32;
	s5 =	smul.u32 $0x28000, s8  }
0x5: {  	s3 =	rddreg [dreg:$0x3];
	s4 =	simm.s32 $0x0;
	s7 =	smul.u32 $0x2800, s0  }
0x6: {  	s23 =	simm.s32 $0x1;
	s24 =	simm.s32 $0x9000;
	s9 =	smul.u32 $0x50000, s0  }
0x7: {  	[smem:$0x7FF] =	sst s4;
	s2 =	sshll.u32 s8, $0x4;
	s14 =	smul.u32 $0x14000, s0  }
0x8: {  	s25 =	ssub.s32 $0x2, s8;
	s21 =	smul.u32 $0x140000, s8;
	s2 =	sor.u32 s0, s2  }
0x9: {  	s18 =	sadd.s32 $0xB600, s6;
	s26 =	sshrl.u32 s25, $0x1;
	s12 =	smul.u32 $0x500, s2  }
0xa: {  	s2 =	rddreg [dreg:$0x4];
	_ =	strace $0x80000047;
	s7 =	sadd.s32 s7, s5  }
0xb: {  	s5 =	sadd.s32 $0xAE00, s6;
	s9 =	sshrl.u32 s9, $0x2;
	s16 =	sadd.s32 $0x4000, s14  }
0xc: {  	s19 =	ssub.s32 s25, s26;
	s17 =	sadd.s32 $0x8000, s14;
	s20 =	sadd.s32 $0xC000, s14  }
0xd: {  	s22 =	sadd.s32 $0x10000, s14;
	s14 =	sadd.s32 s14, s21;
	s25 =	simm.s32 $0x80  }
0xe: {  	s26 =	simm.s32 $0x0;
	s7 =	sshrl.u32 s7, $0x3;
	s8 =	sadd.s32 s17, s3  }
0xf: {  	s10 =	sadd.s32 s22, s3;
	s14 =	sshrl.u32 s14, $0x3;
	s29 =	sadd.s32 s21, s17  }
0x10: {  	s30 =	sadd.s32 s21, s20;
	s31 =	sadd.s32 s21, s22;
	s19 =	smax.u32 s19, $0x1  }
0x11: {  	s22 =	simm.s32 $0x2800;
	s13 =	sadd.s32 s12, s6;
	s15 =	sadd.s32 s7, s6  }
0x12: {  	s6 =	sadd.s32 s9, s3;
	s7 =	sadd.s32 s16, s3;
	s9 =	sadd.s32 s20, s3  }
0x13: {  	s11 =	sadd.s32 s11, s12;
	s16 =	sadd.s32 s21, s16;
	s14 =	sadd.s32 s18, s14  }
0x14: {  	s17 =	sshrl.u32 s30, $0x3;
	s20 =	sshrl.u32 s31, $0x3;
	s21 =	simm.s32 $0x2  }
0x15: {  	s12 =	sadd.s32 $0xE00, s13;
	s13 =	sadd.s32 $0x5B600, s15;
	s28 =	sshrl.u32 s16, $0x3  }
0x16: {  	s16 =	sshrl.u32 s29, $0x3;
	s17 =	sadd.s32 s18, s17;
	s15 =	sadd.s32 s18, s28  }
0x17: {  	v0 =	vimm.f32 $0.0e+00;
	v1 =	vimm.f32 $1.000000000e+00;
	s16 =	sadd.s32 s18, s16;
	s18 =	sadd.s32 s18, s20;
	s20 =	simm.s32 $0x5000  }
.LBB2_1:
0x18: {  	[tilespmem:s20], [sflag:$0x2] =	stream.linear.gather [hbm4b:s5+s4], $0x4000, $0x38;
	[tilespmem:$0x1F800] =	vst v63  }
0x19: {  	_ =	swait.ge [sflag:s21], $0x4000  }
0x1a: {  	[sflag:s21] =	ssyncset.done $0x0  }
0x1b: {  	[sflag:s21] =	ssyncadd.s32 $0xFFFFC000  }
0x1c: {  	[spmem:s6] =	stream.linear.scatter [tilespmem:s20], [sflag:$0x1], $0x4000, $0x38;
	[tilespmem:$0x1F800] =	vst v63  }
0x1d: {  	_ = 	snop  }
0x1e: {  	[spmem:s7] =	stream.linear.scatter [tilespmem:s20], [sflag:$0x1], $0x4000, $0x38;
	[tilespmem:$0x1F800] =	vst v63  }
0x1f: {  	_ = 	snop  }
0x20: {  	[spmem:s8] =	stream.linear.scatter [tilespmem:s20], [sflag:$0x1], $0x4000, $0x38;
	[tilespmem:$0x1F800] =	vst v63  }
0x21: {  	_ = 	snop  }
0x22: {  	[spmem:s9] =	stream.linear.scatter [tilespmem:s20], [sflag:$0x1], $0x4000, $0x38;
	[tilespmem:$0x1F800] =	vst v63  }
0x23: {  	s28 =	simm.s32 $0x10;
	s29 =	sand.u32 $0x3FF0, s4  }
0x24: {  	[spmem:s10] =	stream.linear.scatter [tilespmem:s20], [sflag:$0x1], $0x4000, $0x38;
	[tilespmem:$0x1F800] =	vst v63  }
.LBB2_2:
0x25: {  	p0 =	sne.s32 s28, $0x27F0;
	[tilespmem:s29+$0x9000] =	vst v0;
	s29 =	smov.u32 s28;
	s28 =	sadd.s32 $0x10, s28  }
.Ltmp0:
0x26: {  	(pc) =	sbr.rel @p0 .LBB2_2-.Ltmp0, $2  }
0x27: {  	_ =	sdelay $0x2  }
0x28: {  	s29 =	sand.u32 $0x3FF0, s29  }
0x29: {  	[tilespmem:s29+$0x9000] =	vst v0;
	s28 =	simm.s32 $0x0  }
0x2a: {  	[tilespmem:s28], [sflag:$0x2] =	stream.linear.gather [hbm4b:s11+s28], $0x2800, $0x38;
	[tilespmem:$0x1F800] =	vst v63  }
0x2b: {  	_ =	swait.ge [sflag:s21], $0x2800  }
0x2c: {  	[sflag:s21] =	ssyncset.done $0x0  }
0x2d: {  	[sflag:s21] =	ssyncadd.s32 $0xFFFFD800  }
0x2e: {  	[tilespmem:s22], [sflag:$0x2] =	stream.linear.gather [hbm4b:s12+s28], $0x2800, $0x38;
	[tilespmem:$0x1F800] =	vst v63  }
0x2f: {  	_ =	swait.ge [sflag:s21], $0x2800  }
0x30: {  	[sflag:s21] =	ssyncset.done $0x0  }
0x31: {  	[sflag:s21] =	ssyncadd.s32 $0xFFFFD800  }
0x32: {  	_ =	swait.ge [sflag:s23], $0x4000  }
0x33: {  	[sflag:s23] =	ssyncset.done $0x0  }
0x34: {  	[sflag:s23] =	ssyncadd.s32 $0xFFFFC000  }
0x35: {  	_ =	swait.ge [sflag:s23], $0x4000  }
0x36: {  	[sflag:s23] =	ssyncset.done $0x0  }
0x37: {  	[sflag:s23] =	ssyncadd.s32 $0xFFFFC000  }
0x38: {  	_ =	swait.ge [sflag:s23], $0x4000  }
0x39: {  	[sflag:s23] =	ssyncset.done $0x0  }
0x3a: {  	[sflag:s23] =	ssyncadd.s32 $0xFFFFC000  }
0x3b: {  	_ =	swait.ge [sflag:s23], $0x4000  }
0x3c: {  	[sflag:s23] =	ssyncset.done $0x0  }
0x3d: {  	[sflag:s23] =	ssyncadd.s32 $0xFFFFC000  }
0x3e: {  	_ =	swait.ge [sflag:s23], $0x4000  }
0x3f: {  	[sflag:s23] =	ssyncset.done $0x0  }
0x40: {  	[sflag:s23] =	ssyncadd.s32 $0xFFFFC000  }
0x41: {  	[bflag:$0x0] =	sbarrier.arrive $0xFFFF  }
.LBB2_4:
0x42: {  	s29 =	sshra.s32 s28, $0x2  }
0x43: {  	v2 =	vld [tilespmem:s29+$0x2800];
	_ =	sdelay $0x7  }
0x44: {  	[tilespmem:v2+s24+$0x0] =	vst.idx.add.f32.msk $0xffff, v1  }
0x45: {  	v2 =	vld [tilespmem:s29+$0x2810];
	_ =	sdelay $0x7  }
0x46: {  	[tilespmem:v2+s24+$0x0] =	vst.idx.add.f32.msk $0xffff, v1  }
0x47: {  	v2 =	vld [tilespmem:s29+$0x2820];
	_ =	sdelay $0x7  }
0x48: {  	[tilespmem:v2+s24+$0x0] =	vst.idx.add.f32.msk $0xffff, v1  }
0x49: {  	v2 =	vld [tilespmem:s29+$0x2830];
	_ =	sdelay $0x7  }
0x4a: {  	[tilespmem:v2+s24+$0x0] =	vst.idx.add.f32.msk $0xffff, v1  }
0x4b: {  	v2 =	vld [tilespmem:s29+$0x2840];
	_ =	sdelay $0x7  }
0x4c: {  	[tilespmem:v2+s24+$0x0] =	vst.idx.add.f32.msk $0xffff, v1  }
0x4d: {  	v2 =	vld [tilespmem:s29+$0x2850];
	_ =	sdelay $0x7  }
0x4e: {  	[tilespmem:v2+s24+$0x0] =	vst.idx.add.f32.msk $0xffff, v1  }
0x4f: {  	v2 =	vld [tilespmem:s29+$0x2860];
	_ =	sdelay $0x7  }
0x50: {  	[tilespmem:v2+s24+$0x0] =	vst.idx.add.f32.msk $0xffff, v1  }
0x51: {  	v2 =	vld [tilespmem:s29+$0x2870];
	_ =	sdelay $0x2  }
0x52: {  	p0 =	sne.s32 s28, $0x9E00  }
.Ltmp1:
0x53: {  	_ = 	snop;
	(pc) =	sbr.rel @p0 .LBB2_4-.Ltmp1, $2  }
0x54: {  	_ =	sdelay $0x2  }
0x55: {  	s28 =	sadd.s32 $0x200, s28;
	[tilespmem:v2+s24+$0x0] =	vst.idx.add.f32.msk $0xffff, v1  }
0x56: {  	s28 =	simm.s32 $0x0  }
0x57: {  	[tilespmem:s20], [sflag:$0x1] =	stream.indirect.gather [hbm4b:s1+s25], $0x80, s28, s25, $0xb8;
	[tilespmem:$0x1F800] =	vst v63  }
0x58: {  	_ =	swait.ge [sflag:s23], $0x4000  }
0x59: {  	[sflag:s23] =	ssyncset.done $0x0  }
0x5a: {  	s28 =	simm.s32 $0x2800;
	[sflag:s23] =	ssyncadd.s32 $0xFFFFC000  }
0x5b: {  	[spmem:s3] =	stream.indirect.scatter.add.f32 [tilespmem:s20], [sflag:$0x2], $0x80, s28, s25, $0xb8;
	[tilespmem:$0x1F800] =	vst v63  }
0x5c: {  	_ =	swait.ge [sflag:s21], $0x4000  }
0x5d: {  	s29 =	simm.s32 $0x400;
	s28 =	simm.s32 $0x200;
	[sflag:s21] =	ssyncset.done $0x0  }
.LBB2_6:
0x5e: {  	s30 =	sshra.s32 s28, $0x2  }
0x5f: {  	[sflag:s21] =	ssyncadd.s32 $0xFFFFC000;
	s28 =	smov.u32 s29;
	s31 =	sadd.s32 $0x200, s29  }
0x60: {  	[tilespmem:s20], [sflag:$0x1] =	stream.indirect.gather [hbm4b:s1+s25], $0x80, s30, s25, $0xb8;
	[tilespmem:$0x1F800] =	vst v63  }
0x61: {  	p0 =	sne.s32 s29, $0x9E00;
	_ =	swait.ge [sflag:s23], $0x4000  }
.Ltmp2:
0x62: {  	[sflag:s23] =	ssyncset.done $0x0;
	(pc) =	sbr.rel @p0 .LBB2_6-.Ltmp2, $4  }
0x63: {  	s29 =	sadd.s32 $0x2800, s30;
	[sflag:s23] =	ssyncadd.s32 $0xFFFFC000  }
0x64: {  	[spmem:s3] =	stream.indirect.scatter.add.f32 [tilespmem:s20], [sflag:$0x2], $0x80, s29, s25, $0xb8;
	[tilespmem:$0x1F800] =	vst v63  }
0x65: {  	_ =	swait.ge [sflag:s21], $0x4000  }
0x66: {  	s29 =	smov.u32 s31;
	[sflag:s21] =	ssyncset.done $0x0  }
0x67: {  	s28 =	sshra.s32 s28, $0x2;
	[sflag:s21] =	ssyncadd.s32 $0xFFFFC000  }
0x68: {  	[tilespmem:s20], [sflag:$0x1] =	stream.indirect.gather [hbm4b:s1+s25], $0x80, s28, s25, $0xb8;
	[tilespmem:$0x1F800] =	vst v63  }
0x69: {  	_ =	swait.ge [sflag:s23], $0x4000  }
0x6a: {  	[sflag:s23] =	ssyncset.done $0x0  }
0x6b: {  	s28 =	sadd.s32 $0x2800, s28;
	[sflag:s23] =	ssyncadd.s32 $0xFFFFC000  }
0x6c: {  	[spmem:s3] =	stream.indirect.scatter.add.f32 [tilespmem:s20], [sflag:$0x2], $0x80, s28, s25, $0xb8;
	[tilespmem:$0x1F800] =	vst v63  }
0x6d: {  	_ =	swait.ge [sflag:s21], $0x4000  }
0x6e: {  	[sflag:s21] =	ssyncset.done $0x0  }
0x6f: {  	[sflag:s21] =	ssyncadd.s32 $0xFFFFC000  }
0x70: {  	[hbm4b:s13+s4] =	stream.linear.scatter [tilespmem:s24], [sflag:$0x2], $0x2800, $0x38;
	[tilespmem:$0x1F800] =	vst v63  }
0x71: {  	_ =	swait.ge [sflag:s21], $0x2800  }
0x72: {  	[sflag:s21] =	ssyncset.done $0x0  }
0x73: {  	[sflag:s21] =	ssyncadd.s32 $0xFFFFD800  }
0x74: {  	[bflag:$0x0] =	sbarrier.arrive $0xFFFF  }
0x75: {  	[tilespmem:s20], [sflag:$0x2] =	stream.linear.gather [spmem:s6], $0x4000, $0x38;
	[tilespmem:$0x1F800] =	vst v63  }
0x76: {  	_ =	swait.ge [sflag:s21], $0x4000  }
0x77: {  	[sflag:s21] =	ssyncset.done $0x0  }
0x78: {  	[sflag:s21] =	ssyncadd.s32 $0xFFFFC000  }
0x79: {  	[hbm4b:s14+s4] =	stream.linear.scatter [tilespmem:s20], [sflag:$0x2], $0x4000, $0x38;
	[tilespmem:$0x1F800] =	vst v63  }
0x7a: {  	_ =	swait.ge [sflag:s21], $0x4000  }
0x7b: {  	[sflag:s21] =	ssyncset.done $0x0  }
0x7c: {  	[sflag:s21] =	ssyncadd.s32 $0xFFFFC000  }
0x7d: {  	[tilespmem:s20], [sflag:$0x2] =	stream.linear.gather [spmem:s7], $0x4000, $0x38;
	[tilespmem:$0x1F800] =	vst v63  }
0x7e: {  	_ =	swait.ge [sflag:s21], $0x4000  }
0x7f: {  	[sflag:s21] =	ssyncset.done $0x0  }
0x80: {  	[sflag:s21] =	ssyncadd.s32 $0xFFFFC000  }
0x81: {  	[hbm4b:s15+s4] =	stream.linear.scatter [tilespmem:s20], [sflag:$0x2], $0x4000, $0x38;
	[tilespmem:$0x1F800] =	vst v63  }
0x82: {  	_ =	swait.ge [sflag:s21], $0x4000  }
0x83: {  	[sflag:s21] =	ssyncset.done $0x0  }
0x84: {  	[sflag:s21] =	ssyncadd.s32 $0xFFFFC000  }
0x85: {  	[tilespmem:s20], [sflag:$0x2] =	stream.linear.gather [spmem:s8], $0x4000, $0x38;
	[tilespmem:$0x1F800] =	vst v63  }
0x86: {  	_ =	swait.ge [sflag:s21], $0x4000  }
0x87: {  	[sflag:s21] =	ssyncset.done $0x0  }
0x88: {  	[sflag:s21] =	ssyncadd.s32 $0xFFFFC000  }
0x89: {  	[hbm4b:s16+s4] =	stream.linear.scatter [tilespmem:s20], [sflag:$0x2], $0x4000, $0x38;
	[tilespmem:$0x1F800] =	vst v63  }
0x8a: {  	_ =	swait.ge [sflag:s21], $0x4000  }
0x8b: {  	[sflag:s21] =	ssyncset.done $0x0  }
0x8c: {  	[sflag:s21] =	ssyncadd.s32 $0xFFFFC000  }
0x8d: {  	[tilespmem:s20], [sflag:$0x2] =	stream.linear.gather [spmem:s9], $0x4000, $0x38;
	[tilespmem:$0x1F800] =	vst v63  }
0x8e: {  	_ =	swait.ge [sflag:s21], $0x4000  }
0x8f: {  	[sflag:s21] =	ssyncset.done $0x0  }
0x90: {  	[sflag:s21] =	ssyncadd.s32 $0xFFFFC000  }
0x91: {  	[hbm4b:s17+s4] =	stream.linear.scatter [tilespmem:s20], [sflag:$0x2], $0x4000, $0x38;
	[tilespmem:$0x1F800] =	vst v63  }
0x92: {  	_ =	swait.ge [sflag:s21], $0x4000  }
0x93: {  	[sflag:s21] =	ssyncset.done $0x0  }
0x94: {  	[sflag:s21] =	ssyncadd.s32 $0xFFFFC000  }
0x95: {  	[tilespmem:s20], [sflag:$0x2] =	stream.linear.gather [spmem:s10], $0x4000, $0x38;
	[tilespmem:$0x1F800] =	vst v63  }
0x96: {  	s26 =	sadd.s32 $0x1, s26;
	_ =	swait.ge [sflag:s21], $0x4000  }
0x97: {  	p0 =	sne.s32 s26, s19;
	[sflag:s21] =	ssyncset.done $0x0  }
.Ltmp3:
0x98: {  	[sflag:s21] =	ssyncadd.s32 $0xFFFFC000;
	(pc) =	sbr.rel @p0 .LBB2_1-.Ltmp3, $4  }
0x99: {  	[hbm4b:s18+s4] =	stream.linear.scatter [tilespmem:s20], [sflag:$0x2], $0x4000, $0x38;
	[tilespmem:$0x1F800] =	vst v63  }
0x9a: {  	_ =	swait.ge [sflag:s21], $0x4000  }
0x9b: {  	[sflag:s21] =	ssyncset.done $0x0  }
0x9c: {  	[sflag:s21] =	ssyncadd.s32 $0xFFFFC000  }
0x9d: {  	_ =	sfence.sel $0x180000  }
0x9e: {  	[bflag:$0x0] =	sbarrier.arrive $0xFFFF  }
0x9f: {  	p0 =	sne.s32 s0, $0x0;
	_ =	strace $0x90000047  }
0xa0: {  	s0 =	sadd.s32 @!p0 $0x100000, s2;
	[bflag:$0x2] =	sbarrier.arrive $0xFFFF  }
0xa1: {  	[sflag:s0] =	ssyncadd.tile.s32 @!p0 $0x1;
	_ =	shalt  }
.Lfunc_end2:
_tile_overlayer_lowered:
.L_overlay_start_2:
0xa2: {  	(tag) =	ssettag $0x2  }
0xa3: {  	s0 =	rddreg [dreg:$0x0];
	s2 =	stileid.u32  }
0xa4: {  	s1 =	rddreg [dreg:$0x1];
	p0 =	sne.s32 s2, $0x0  }
0xa5: {  	s3 =	rddreg [dreg:$0x2];
	[bflag:$0x3] =	sbarrier.arrive $0xFFFF;
	s2 =	simm.s32 @!p0 $0x1C02  }
0xa6: {  	[timem:s3], [sflag:s2] =	dma.local @!p0 [hbm:s0], s1  }
0xa7: {  	s0 =	simm.s32 @!p0 $0x2  }
0xa8: {  	_ =	swait.ge @!p0 [sflag:s0], s1  }
0xa9: {  	s1 =	ssub.s32 @!p0 $0x0, s1;
	[sflag:s0] =	ssyncset.done @!p0 $0x0  }
0xaa: {  	[sflag:s0] =	ssyncadd.s32 @!p0 s1  }
0xab: {  	[bflag:$0x3] =	sbarrier.arrive $0xFFFF  }
0xac: {  	_ =	shalt  }

</sc_bundles>
